<compile_context>
chip_gen: v7x
topology: tpu7x:2x2x1
jax: 0.10.2.dev20260603
libtpu: 0.0.44.dev20260713+nightly
codegen_flags: <defaults>
</compile_context>

<pallas_src>
import functools

import jax
import jax.numpy as jnp
from jax import lax
from jax.experimental import pallas as pl
from jax.experimental.pallas import tpu as pltpu
from jax.experimental.pallas import tpu_sc as plsc

TOKENS = 16384
D = 2048
E = 16
NC = 2
NW = 16 * NC
L = 16
NCH = 1
CHT = TOKENS // NCH
TBC = CHT // NW
TCB = 2048
SUB = TCB // TBC


def _tc_logits_body(x_ref, w_ref, b_ref, o_ref):
    acc = lax.dot_general(
        w_ref[...], x_ref[...],
        dimension_numbers=(((1,), (1,)), ((), ())),
        preferred_element_type=jnp.float32,
    )
    acc = acc + b_ref[:, 0:1]
    for i in range(SUB):
        o_ref[pl.ds(i * E * TBC, E * TBC)] = (
            acc[:, i * TBC:(i + 1) * TBC].reshape(E * TBC))


def _tc_logits(x, W, bpad, k):
    steps = CHT // TCB
    return pl.pallas_call(
        _tc_logits_body,
        grid=(steps,),
        in_specs=[
            pl.BlockSpec((TCB, D), lambda c, kk=k, ss=steps: (c + kk * ss, 0)),
            pl.BlockSpec((E, D), lambda c: (0, 0)),
            pl.BlockSpec((E, 128), lambda c: (0, 0)),
        ],
        out_specs=pl.BlockSpec((SUB * E * TBC,), lambda c: (c,)),
        out_shape=jax.ShapeDtypeStruct((NW * E * TBC,), jnp.float32),
    )(x, W, bpad)


@functools.lru_cache(maxsize=1)
def _sc_top2():
    @functools.partial(
        pl.kernel,
        mesh=plsc.VectorSubcoreMesh(core_axis_name="c", subcore_axis_name="s",
                                    num_cores=NC),
        out_type=[
            jax.ShapeDtypeStruct((2 * CHT,), jnp.float32),
            jax.ShapeDtypeStruct((2 * CHT,), jnp.int32),
        ],
        scratch_types=[
            pltpu.VMEM((E * TBC,), jnp.float32),
            pltpu.VMEM((2 * TBC,), jnp.float32),
            pltpu.VMEM((2 * TBC,), jnp.int32),
            pltpu.SemaphoreType.DMA,
        ],
    )
    def sc_top2(logits_hbm, p_hbm, e_hbm, buf, pcv, ecv, sem):
        wid = lax.axis_index("s") * NC + lax.axis_index("c")
        pltpu.sync_copy(logits_hbm.at[pl.ds(wid * E * TBC, E * TBC)], buf)

        def group(g, carry):
            base = g * L
            m1 = buf[pl.ds(base, L)]
            i1 = jnp.zeros((L,), jnp.int32)
            m2 = jnp.full((L,), -jnp.inf, jnp.float32)
            i2 = jnp.zeros((L,), jnp.int32)
            for e in range(1, E):
                v = buf[pl.ds(e * TBC + base, L)]
                ev = jnp.full((L,), e, jnp.int32)
                new_max = v > m1
                beats2 = v > m2
                m2 = jnp.where(new_max, m1, jnp.where(beats2, v, m2))
                i2 = jnp.where(new_max, i1, jnp.where(beats2, ev, i2))
                m1 = jnp.where(new_max, v, m1)
                i1 = jnp.where(new_max, ev, i1)
            d = jnp.exp(m2 - m1)
            p1 = 1.0 / (1.0 + d)
            pcv[pl.ds(base, L)] = p1
            pcv[pl.ds(TBC + base, L)] = 1.0 - p1
            ecv[pl.ds(base, L)] = i1
            ecv[pl.ds(TBC + base, L)] = i2
            return carry

        lax.fori_loop(0, TBC // L, group, 0)

        off = wid * 2 * TBC
        cp = pltpu.async_copy(pcv, p_hbm.at[pl.ds(off, 2 * TBC)], sem)
        ce = pltpu.async_copy(ecv, e_hbm.at[pl.ds(off, 2 * TBC)], sem)
        cp.wait()
        ce.wait()

    return sc_top2


def kernel(x, W, b, gate_bias):
    bpad = jnp.broadcast_to((b + gate_bias)[:, None], (E, 128))
    logits = _tc_logits(x, W, bpad, 0)
    pc, ec = _sc_top2()(logits)
    pc = pc.reshape(NW, 2, TBC)
    ec = ec.reshape(NW, 2, TBC)
    probs = jnp.stack([pc[:, 0, :].reshape(TOKENS),
                       pc[:, 1, :].reshape(TOKENS)], axis=-1)
    idx = jnp.stack([ec[:, 0, :].reshape(TOKENS),
                     ec[:, 1, :].reshape(TOKENS)], axis=-1)
    return probs, idx

# --- scband reference (transcript-rebuilt; emitter-appended) ---
"""Pipeline reference for scband-moe-gate-45148696217035 (READ-ONLY COPY).

The authoritative reference and input builder live on the scoring server;
editing this copy changes nothing except your own understanding.
"""

import jax, jax.numpy as jnp
import numpy as np

N_EMBD = 2048
NUM_EXPERTS = 16
TOP_K = 2
TOKENS = 16384

def setup_inputs(seed: int = 0) -> dict:
    key = jax.random.key(seed)
    k1, k2, k3 = jax.random.split(key, 3)
    x = jax.random.normal(k1, (TOKENS, N_EMBD), dtype=jnp.float32)
    # nn.Linear(n_embd, num_of_experts): weight [E, d], bias [E]
    W = jax.random.normal(k2, (NUM_EXPERTS, N_EMBD), dtype=jnp.float32) * (1.0 / np.sqrt(N_EMBD))
    b = jax.random.normal(k3, (NUM_EXPERTS,), dtype=jnp.float32) * 0.01
    gate_bias = jnp.zeros((NUM_EXPERTS,), dtype=jnp.float32)  # registered buffer 'bias'
    return {"x": x, "W": W, "b": b, "gate_bias": gate_bias}

def reference(x, W, b, gate_bias):
    # routing_matrix = expert_selector(x) + self.bias
    routing_matrix = x @ W.T + b + gate_bias
    topk_logits, topk_indices = jax.lax.top_k(routing_matrix, TOP_K)
    topk_probs = jax.nn.softmax(topk_logits, axis=-1)
    # eval mode: no bias update
    return (topk_probs, topk_indices)

if __name__ == "__main__":
    import jax
    _d = setup_inputs()
    print(jax.jit(kernel)(*tuple(_d.values())))

</pallas_src>

<mosaic_0001>
#map = affine_map<(d0, d1) -> (0)>
module attributes {stable_mosaic.version = 14 : i64} {
  func.func @sc_top2(%arg0: i32, %arg1: i32, %arg2: memref<262144xf32, #tpu.memory_space<hbm>>, %arg3: memref<32768xf32, #tpu.memory_space<hbm>>, %arg4: memref<32768xi32, #tpu.memory_space<hbm>>, %arg5: memref<8192xf32, #tpu.memory_space<vmem>>, %arg6: memref<1024xf32, #tpu.memory_space<vmem>>, %arg7: memref<1024xi32, #tpu.memory_space<vmem>>, %arg8: memref<!tpu.dma_semaphore, #tpu.memory_space<semaphore_mem>>) attributes {dimension_semantics = [#tpu.dimension_semantics<core_parallel>, #tpu.dimension_semantics<subcore_parallel>], iteration_bounds = array<i64: 2, 16>, scalar_prefetch = 0 : i64, scratch_operands = 4 : i64, tpu.core_type = #tpu.core_type<sc_vector_subcore>, window_params = [{transform_indices = #map}, {transform_indices = #map}, {transform_indices = #map}]} {
    %mul3A = arith.constant 2 : i32
    %mul3A_0 = arith.muli %arg1, %mul3A : i32
    %add3A = arith.addi %mul3A_0, %arg0 : i32
    %mul3A_1 = arith.constant 16 : i32
    %mul3A_2 = arith.muli %add3A, %mul3A_1 : i32
    %mul3A_3 = arith.constant 512 : i32
    %mul3A_4 = arith.muli %mul3A_2, %mul3A_3 : i32
    "tpu.region"() ({
      %run_scoped3A = tpu.sem_alloc : memref<!tpu.dma_semaphore, #tpu.memory_space<semaphore_mem>>
      %dma_start3A_20 = tpu.memref_slice %arg2[%mul3A_4] : memref<262144xf32, #tpu.memory_space<hbm>> -> memref<8192xf32, #tpu.memory_space<hbm>>
      %dma_start3A_21 = tpu.memref_slice %arg2[%mul3A_4] : memref<262144xf32, #tpu.memory_space<hbm>> -> memref<8192xf32, #tpu.memory_space<hbm>>
      tpu.enqueue_dma source(%dma_start3A_21 : memref<8192xf32, #tpu.memory_space<hbm>>) target(%arg5 : memref<8192xf32, #tpu.memory_space<vmem>>) target_semaphore(%run_scoped3A : memref<!tpu.dma_semaphore, #tpu.memory_space<semaphore_mem>>)
      %dma_wait3A_22 = tpu.memref_slice %arg2[%mul3A_4] : memref<262144xf32, #tpu.memory_space<hbm>> -> memref<8192xf32, #tpu.memory_space<hbm>>
      %dma_wait3A_23 = tpu.memref_slice %arg2[%mul3A_4] : memref<262144xf32, #tpu.memory_space<hbm>> -> memref<8192xf32, #tpu.memory_space<hbm>>
      tpu.wait_dma2 semaphore(%run_scoped3A : memref<!tpu.dma_semaphore, #tpu.memory_space<semaphore_mem>>) src(%dma_wait3A_23 : memref<8192xf32, #tpu.memory_space<hbm>>) dst(%arg5 : memref<8192xf32, #tpu.memory_space<vmem>>)
      tpu.yield
    }) : () -> ()
    %scan3A = arith.constant 0 : i32
    %scan3A_5 = arith.constant 0 : i32
    %scan3A_6 = arith.constant 32 : i32
    %scan3A_7 = arith.addi %scan3A_5, %scan3A_6 : i32
    %scan3A_8 = arith.constant 1 : i32
    scf.for %scan3A_20 = %scan3A_5 to %scan3A_7 step %scan3A_8  : i32 {
      %mul3A_21 = arith.constant 16 : i32
      %mul3A_22 = arith.muli %scan3A_20, %mul3A_21 : i32
      %get3A = arith.index_cast %mul3A_22 : i32 to index
      %get3A_23 = tpu.vector_load %arg5[%get3A] {strides = array<i32>} : memref<8192xf32, #tpu.memory_space<vmem>>, vector<16xf32>,
      %get3A_24 = vector.shape_cast %get3A_23 : vector<16xf32> to vector<16xf32>
      %broadcast_in_dim3A = arith.constant 0 : i32
      %broadcast_in_dim3A_25 = vector.broadcast %broadcast_in_dim3A : i32 to vector<16xi32>
      %broadcast_in_dim3A_26 = arith.constant 0xFF800000 : f32
      %broadcast_in_dim3A_27 = vector.broadcast %broadcast_in_dim3A_26 : f32 to vector<16xf32>
      %broadcast_in_dim3A_28 = arith.constant 0 : i32
      %broadcast_in_dim3A_29 = vector.broadcast %broadcast_in_dim3A_28 : i32 to vector<16xi32>
      %add3A_30 = arith.constant 512 : i32
      %add3A_31 = arith.addi %add3A_30, %mul3A_22 : i32
      %get3A_32 = arith.index_cast %add3A_31 : i32 to index
      %get3A_33 = tpu.vector_load %arg5[%get3A_32] {strides = array<i32>} : memref<8192xf32, #tpu.memory_space<vmem>>, vector<16xf32>,
      %get3A_34 = vector.shape_cast %get3A_33 : vector<16xf32> to vector<16xf32>
      %broadcast_in_dim3A_35 = arith.constant 1 : i32
      %broadcast_in_dim3A_36 = vector.broadcast %broadcast_in_dim3A_35 : i32 to vector<16xi32>
      %gt3A = arith.cmpf ogt, %get3A_34, %get3A_24 : vector<16xf32>
      %gt3A_37 = arith.cmpf ogt, %get3A_34, %broadcast_in_dim3A_27 : vector<16xf32>
      %select_n3A = arith.select %gt3A_37, %get3A_34, %broadcast_in_dim3A_27 : vector<16xi1>, vector<16xf32>
      %select_n3A_38 = arith.select %gt3A, %get3A_24, %select_n3A : vector<16xi1>, vector<16xf32>
      %select_n3A_39 = arith.select %gt3A_37, %broadcast_in_dim3A_36, %broadcast_in_dim3A_29 : vector<16xi1>, vector<16xi32>
      %select_n3A_40 = arith.select %gt3A, %broadcast_in_dim3A_25, %select_n3A_39 : vector<16xi1>, vector<16xi32>
      %select_n3A_41 = arith.select %gt3A, %get3A_34, %get3A_24 : vector<16xi1>, vector<16xf32>
      %select_n3A_42 = arith.select %gt3A, %broadcast_in_dim3A_36, %broadcast_in_dim3A_25 : vector<16xi1>, vector<16xi32>
      %add3A_43 = arith.constant 1024 : i32
      %add3A_44 = arith.addi %add3A_43, %mul3A_22 : i32
      %get3A_45 = arith.index_cast %add3A_44 : i32 to index
      %get3A_46 = tpu.vector_load %arg5[%get3A_45] {strides = array<i32>} : memref<8192xf32, #tpu.memory_space<vmem>>, vector<16xf32>,
      %get3A_47 = vector.shape_cast %get3A_46 : vector<16xf32> to vector<16xf32>
      %broadcast_in_dim3A_48 = arith.constant 2 : i32
      %broadcast_in_dim3A_49 = vector.broadcast %broadcast_in_dim3A_48 : i32 to vector<16xi32>
      %gt3A_50 = arith.cmpf ogt, %get3A_47, %select_n3A_41 : vector<16xf32>
      %gt3A_51 = arith.cmpf ogt, %get3A_47, %select_n3A_38 : vector<16xf32>
      %select_n3A_52 = arith.select %gt3A_51, %get3A_47, %select_n3A_38 : vector<16xi1>, vector<16xf32>
      %select_n3A_53 = arith.select %gt3A_50, %select_n3A_41, %select_n3A_52 : vector<16xi1>, vector<16xf32>
      %select_n3A_54 = arith.select %gt3A_51, %broadcast_in_dim3A_49, %select_n3A_40 : vector<16xi1>, vector<16xi32>
      %select_n3A_55 = arith.select %gt3A_50, %select_n3A_42, %select_n3A_54 : vector<16xi1>, vector<16xi32>
      %select_n3A_56 = arith.select %gt3A_50, %get3A_47, %select_n3A_41 : vector<16xi1>, vector<16xf32>
      %select_n3A_57 = arith.select %gt3A_50, %broadcast_in_dim3A_49, %select_n3A_42 : vector<16xi1>, vector<16xi32>
      %add3A_58 = arith.constant 1536 : i32
      %add3A_59 = arith.addi %add3A_58, %mul3A_22 : i32
      %get3A_60 = arith.index_cast %add3A_59 : i32 to index
      %get3A_61 = tpu.vector_load %arg5[%get3A_60] {strides = array<i32>} : memref<8192xf32, #tpu.memory_space<vmem>>, vector<16xf32>,
      %get3A_62 = vector.shape_cast %get3A_61 : vector<16xf32> to vector<16xf32>
      %broadcast_in_dim3A_63 = arith.constant 3 : i32
      %broadcast_in_dim3A_64 = vector.broadcast %broadcast_in_dim3A_63 : i32 to vector<16xi32>
      %gt3A_65 = arith.cmpf ogt, %get3A_62, %select_n3A_56 : vector<16xf32>
      %gt3A_66 = arith.cmpf ogt, %get3A_62, %select_n3A_53 : vector<16xf32>
      %select_n3A_67 = arith.select %gt3A_66, %get3A_62, %select_n3A_53 : vector<16xi1>, vector<16xf32>
      %select_n3A_68 = arith.select %gt3A_65, %select_n3A_56, %select_n3A_67 : vector<16xi1>, vector<16xf32>
      %select_n3A_69 = arith.select %gt3A_66, %broadcast_in_dim3A_64, %select_n3A_55 : vector<16xi1>, vector<16xi32>
      %select_n3A_70 = arith.select %gt3A_65, %select_n3A_57, %select_n3A_69 : vector<16xi1>, vector<16xi32>
      %select_n3A_71 = arith.select %gt3A_65, %get3A_62, %select_n3A_56 : vector<16xi1>, vector<16xf32>
      %select_n3A_72 = arith.select %gt3A_65, %broadcast_in_dim3A_64, %select_n3A_57 : vector<16xi1>, vector<16xi32>
      %add3A_73 = arith.constant 2048 : i32
      %add3A_74 = arith.addi %add3A_73, %mul3A_22 : i32
      %get3A_75 = arith.index_cast %add3A_74 : i32 to index
      %get3A_76 = tpu.vector_load %arg5[%get3A_75] {strides = array<i32>} : memref<8192xf32, #tpu.memory_space<vmem>>, vector<16xf32>,
      %get3A_77 = vector.shape_cast %get3A_76 : vector<16xf32> to vector<16xf32>
      %broadcast_in_dim3A_78 = arith.constant 4 : i32
      %broadcast_in_dim3A_79 = vector.broadcast %broadcast_in_dim3A_78 : i32 to vector<16xi32>
      %gt3A_80 = arith.cmpf ogt, %get3A_77, %select_n3A_71 : vector<16xf32>
      %gt3A_81 = arith.cmpf ogt, %get3A_77, %select_n3A_68 : vector<16xf32>
      %select_n3A_82 = arith.select %gt3A_81, %get3A_77, %select_n3A_68 : vector<16xi1>, vector<16xf32>
      %select_n3A_83 = arith.select %gt3A_80, %select_n3A_71, %select_n3A_82 : vector<16xi1>, vector<16xf32>
      %select_n3A_84 = arith.select %gt3A_81, %broadcast_in_dim3A_79, %select_n3A_70 : vector<16xi1>, vector<16xi32>
      %select_n3A_85 = arith.select %gt3A_80, %select_n3A_72, %select_n3A_84 : vector<16xi1>, vector<16xi32>
      %select_n3A_86 = arith.select %gt3A_80, %get3A_77, %select_n3A_71 : vector<16xi1>, vector<16xf32>
      %select_n3A_87 = arith.select %gt3A_80, %broadcast_in_dim3A_79, %select_n3A_72 : vector<16xi1>, vector<16xi32>
      %add3A_88 = arith.constant 2560 : i32
      %add3A_89 = arith.addi %add3A_88, %mul3A_22 : i32
      %get3A_90 = arith.index_cast %add3A_89 : i32 to index
      %get3A_91 = tpu.vector_load %arg5[%get3A_90] {strides = array<i32>} : memref<8192xf32, #tpu.memory_space<vmem>>, vector<16xf32>,
      %get3A_92 = vector.shape_cast %get3A_91 : vector<16xf32> to vector<16xf32>
      %broadcast_in_dim3A_93 = arith.constant 5 : i32
      %broadcast_in_dim3A_94 = vector.broadcast %broadcast_in_dim3A_93 : i32 to vector<16xi32>
      %gt3A_95 = arith.cmpf ogt, %get3A_92, %select_n3A_86 : vector<16xf32>
      %gt3A_96 = arith.cmpf ogt, %get3A_92, %select_n3A_83 : vector<16xf32>
      %select_n3A_97 = arith.select %gt3A_96, %get3A_92, %select_n3A_83 : vector<16xi1>, vector<16xf32>
      %select_n3A_98 = arith.select %gt3A_95, %select_n3A_86, %select_n3A_97 : vector<16xi1>, vector<16xf32>
      %select_n3A_99 = arith.select %gt3A_96, %broadcast_in_dim3A_94, %select_n3A_85 : vector<16xi1>, vector<16xi32>
      %select_n3A_100 = arith.select %gt3A_95, %select_n3A_87, %select_n3A_99 : vector<16xi1>, vector<16xi32>
      %select_n3A_101 = arith.select %gt3A_95, %get3A_92, %select_n3A_86 : vector<16xi1>, vector<16xf32>
      %select_n3A_102 = arith.select %gt3A_95, %broadcast_in_dim3A_94, %select_n3A_87 : vector<16xi1>, vector<16xi32>
      %add3A_103 = arith.constant 3072 : i32
      %add3A_104 = arith.addi %add3A_103, %mul3A_22 : i32
      %get3A_105 = arith.index_cast %add3A_104 : i32 to index
      %get3A_106 = tpu.vector_load %arg5[%get3A_105] {strides = array<i32>} : memref<8192xf32, #tpu.memory_space<vmem>>, vector<16xf32>,
      %get3A_107 = vector.shape_cast %get3A_106 : vector<16xf32> to vector<16xf32>
      %broadcast_in_dim3A_108 = arith.constant 6 : i32
      %broadcast_in_dim3A_109 = vector.broadcast %broadcast_in_dim3A_108 : i32 to vector<16xi32>
      %gt3A_110 = arith.cmpf ogt, %get3A_107, %select_n3A_101 : vector<16xf32>
      %gt3A_111 = arith.cmpf ogt, %get3A_107, %select_n3A_98 : vector<16xf32>
      %select_n3A_112 = arith.select %gt3A_111, %get3A_107, %select_n3A_98 : vector<16xi1>, vector<16xf32>
      %select_n3A_113 = arith.select %gt3A_110, %select_n3A_101, %select_n3A_112 : vector<16xi1>, vector<16xf32>
      %select_n3A_114 = arith.select %gt3A_111, %broadcast_in_dim3A_109, %select_n3A_100 : vector<16xi1>, vector<16xi32>
      %select_n3A_115 = arith.select %gt3A_110, %select_n3A_102, %select_n3A_114 : vector<16xi1>, vector<16xi32>
      %select_n3A_116 = arith.select %gt3A_110, %get3A_107, %select_n3A_101 : vector<16xi1>, vector<16xf32>
      %select_n3A_117 = arith.select %gt3A_110, %broadcast_in_dim3A_109, %select_n3A_102 : vector<16xi1>, vector<16xi32>
      %add3A_118 = arith.constant 3584 : i32
      %add3A_119 = arith.addi %add3A_118, %mul3A_22 : i32
      %get3A_120 = arith.index_cast %add3A_119 : i32 to index
      %get3A_121 = tpu.vector_load %arg5[%get3A_120] {strides = array<i32>} : memref<8192xf32, #tpu.memory_space<vmem>>, vector<16xf32>,
      %get3A_122 = vector.shape_cast %get3A_121 : vector<16xf32> to vector<16xf32>
      %broadcast_in_dim3A_123 = arith.constant 7 : i32
      %broadcast_in_dim3A_124 = vector.broadcast %broadcast_in_dim3A_123 : i32 to vector<16xi32>
      %gt3A_125 = arith.cmpf ogt, %get3A_122, %select_n3A_116 : vector<16xf32>
      %gt3A_126 = arith.cmpf ogt, %get3A_122, %select_n3A_113 : vector<16xf32>
      %select_n3A_127 = arith.select %gt3A_126, %get3A_122, %select_n3A_113 : vector<16xi1>, vector<16xf32>
      %select_n3A_128 = arith.select %gt3A_125, %select_n3A_116, %select_n3A_127 : vector<16xi1>, vector<16xf32>
      %select_n3A_129 = arith.select %gt3A_126, %broadcast_in_dim3A_124, %select_n3A_115 : vector<16xi1>, vector<16xi32>
      %select_n3A_130 = arith.select %gt3A_125, %select_n3A_117, %select_n3A_129 : vector<16xi1>, vector<16xi32>
      %select_n3A_131 = arith.select %gt3A_125, %get3A_122, %select_n3A_116 : vector<16xi1>, vector<16xf32>
      %select_n3A_132 = arith.select %gt3A_125, %broadcast_in_dim3A_124, %select_n3A_117 : vector<16xi1>, vector<16xi32>
      %add3A_133 = arith.constant 4096 : i32
      %add3A_134 = arith.addi %add3A_133, %mul3A_22 : i32
      %get3A_135 = arith.index_cast %add3A_134 : i32 to index
      %get3A_136 = tpu.vector_load %arg5[%get3A_135] {strides = array<i32>} : memref<8192xf32, #tpu.memory_space<vmem>>, vector<16xf32>,
      %get3A_137 = vector.shape_cast %get3A_136 : vector<16xf32> to vector<16xf32>
      %broadcast_in_dim3A_138 = arith.constant 8 : i32
      %broadcast_in_dim3A_139 = vector.broadcast %broadcast_in_dim3A_138 : i32 to vector<16xi32>
      %gt3A_140 = arith.cmpf ogt, %get3A_137, %select_n3A_131 : vector<16xf32>
      %gt3A_141 = arith.cmpf ogt, %get3A_137, %select_n3A_128 : vector<16xf32>
      %select_n3A_142 = arith.select %gt3A_141, %get3A_137, %select_n3A_128 : vector<16xi1>, vector<16xf32>
      %select_n3A_143 = arith.select %gt3A_140, %select_n3A_131, %select_n3A_142 : vector<16xi1>, vector<16xf32>
      %select_n3A_144 = arith.select %gt3A_141, %broadcast_in_dim3A_139, %select_n3A_130 : vector<16xi1>, vector<16xi32>
      %select_n3A_145 = arith.select %gt3A_140, %select_n3A_132, %select_n3A_144 : vector<16xi1>, vector<16xi32>
      %select_n3A_146 = arith.select %gt3A_140, %get3A_137, %select_n3A_131 : vector<16xi1>, vector<16xf32>
      %select_n3A_147 = arith.select %gt3A_140, %broadcast_in_dim3A_139, %select_n3A_132 : vector<16xi1>, vector<16xi32>
      %add3A_148 = arith.constant 4608 : i32
      %add3A_149 = arith.addi %add3A_148, %mul3A_22 : i32
      %get3A_150 = arith.index_cast %add3A_149 : i32 to index
      %get3A_151 = tpu.vector_load %arg5[%get3A_150] {strides = array<i32>} : memref<8192xf32, #tpu.memory_space<vmem>>, vector<16xf32>,
      %get3A_152 = vector.shape_cast %get3A_151 : vector<16xf32> to vector<16xf32>
      %broadcast_in_dim3A_153 = arith.constant 9 : i32
      %broadcast_in_dim3A_154 = vector.broadcast %broadcast_in_dim3A_153 : i32 to vector<16xi32>
      %gt3A_155 = arith.cmpf ogt, %get3A_152, %select_n3A_146 : vector<16xf32>
      %gt3A_156 = arith.cmpf ogt, %get3A_152, %select_n3A_143 : vector<16xf32>
      %select_n3A_157 = arith.select %gt3A_156, %get3A_152, %select_n3A_143 : vector<16xi1>, vector<16xf32>
      %select_n3A_158 = arith.select %gt3A_155, %select_n3A_146, %select_n3A_157 : vector<16xi1>, vector<16xf32>
      %select_n3A_159 = arith.select %gt3A_156, %broadcast_in_dim3A_154, %select_n3A_145 : vector<16xi1>, vector<16xi32>
      %select_n3A_160 = arith.select %gt3A_155, %select_n3A_147, %select_n3A_159 : vector<16xi1>, vector<16xi32>
      %select_n3A_161 = arith.select %gt3A_155, %get3A_152, %select_n3A_146 : vector<16xi1>, vector<16xf32>
      %select_n3A_162 = arith.select %gt3A_155, %broadcast_in_dim3A_154, %select_n3A_147 : vector<16xi1>, vector<16xi32>
      %add3A_163 = arith.constant 5120 : i32
      %add3A_164 = arith.addi %add3A_163, %mul3A_22 : i32
      %get3A_165 = arith.index_cast %add3A_164 : i32 to index
      %get3A_166 = tpu.vector_load %arg5[%get3A_165] {strides = array<i32>} : memref<8192xf32, #tpu.memory_space<vmem>>, vector<16xf32>,
      %get3A_167 = vector.shape_cast %get3A_166 : vector<16xf32> to vector<16xf32>
      %broadcast_in_dim3A_168 = arith.constant 10 : i32
      %broadcast_in_dim3A_169 = vector.broadcast %broadcast_in_dim3A_168 : i32 to vector<16xi32>
      %gt3A_170 = arith.cmpf ogt, %get3A_167, %select_n3A_161 : vector<16xf32>
      %gt3A_171 = arith.cmpf ogt, %get3A_167, %select_n3A_158 : vector<16xf32>
      %select_n3A_172 = arith.select %gt3A_171, %get3A_167, %select_n3A_158 : vector<16xi1>, vector<16xf32>
      %select_n3A_173 = arith.select %gt3A_170, %select_n3A_161, %select_n3A_172 : vector<16xi1>, vector<16xf32>
      %select_n3A_174 = arith.select %gt3A_171, %broadcast_in_dim3A_169, %select_n3A_160 : vector<16xi1>, vector<16xi32>
      %select_n3A_175 = arith.select %gt3A_170, %select_n3A_162, %select_n3A_174 : vector<16xi1>, vector<16xi32>
      %select_n3A_176 = arith.select %gt3A_170, %get3A_167, %select_n3A_161 : vector<16xi1>, vector<16xf32>
      %select_n3A_177 = arith.select %gt3A_170, %broadcast_in_dim3A_169, %select_n3A_162 : vector<16xi1>, vector<16xi32>
      %add3A_178 = arith.constant 5632 : i32
      %add3A_179 = arith.addi %add3A_178, %mul3A_22 : i32
      %get3A_180 = arith.index_cast %add3A_179 : i32 to index
      %get3A_181 = tpu.vector_load %arg5[%get3A_180] {strides = array<i32>} : memref<8192xf32, #tpu.memory_space<vmem>>, vector<16xf32>,
      %get3A_182 = vector.shape_cast %get3A_181 : vector<16xf32> to vector<16xf32>
      %broadcast_in_dim3A_183 = arith.constant 11 : i32
      %broadcast_in_dim3A_184 = vector.broadcast %broadcast_in_dim3A_183 : i32 to vector<16xi32>
      %gt3A_185 = arith.cmpf ogt, %get3A_182, %select_n3A_176 : vector<16xf32>
      %gt3A_186 = arith.cmpf ogt, %get3A_182, %select_n3A_173 : vector<16xf32>
      %select_n3A_187 = arith.select %gt3A_186, %get3A_182, %select_n3A_173 : vector<16xi1>, vector<16xf32>
      %select_n3A_188 = arith.select %gt3A_185, %select_n3A_176, %select_n3A_187 : vector<16xi1>, vector<16xf32>
      %select_n3A_189 = arith.select %gt3A_186, %broadcast_in_dim3A_184, %select_n3A_175 : vector<16xi1>, vector<16xi32>
      %select_n3A_190 = arith.select %gt3A_185, %select_n3A_177, %select_n3A_189 : vector<16xi1>, vector<16xi32>
      %select_n3A_191 = arith.select %gt3A_185, %get3A_182, %select_n3A_176 : vector<16xi1>, vector<16xf32>
      %select_n3A_192 = arith.select %gt3A_185, %broadcast_in_dim3A_184, %select_n3A_177 : vector<16xi1>, vector<16xi32>
      %add3A_193 = arith.constant 6144 : i32
      %add3A_194 = arith.addi %add3A_193, %mul3A_22 : i32
      %get3A_195 = arith.index_cast %add3A_194 : i32 to index
      %get3A_196 = tpu.vector_load %arg5[%get3A_195] {strides = array<i32>} : memref<8192xf32, #tpu.memory_space<vmem>>, vector<16xf32>,
      %get3A_197 = vector.shape_cast %get3A_196 : vector<16xf32> to vector<16xf32>
      %broadcast_in_dim3A_198 = arith.constant 12 : i32
      %broadcast_in_dim3A_199 = vector.broadcast %broadcast_in_dim3A_198 : i32 to vector<16xi32>
      %gt3A_200 = arith.cmpf ogt, %get3A_197, %select_n3A_191 : vector<16xf32>
      %gt3A_201 = arith.cmpf ogt, %get3A_197, %select_n3A_188 : vector<16xf32>
      %select_n3A_202 = arith.select %gt3A_201, %get3A_197, %select_n3A_188 : vector<16xi1>, vector<16xf32>
      %select_n3A_203 = arith.select %gt3A_200, %select_n3A_191, %select_n3A_202 : vector<16xi1>, vector<16xf32>
      %select_n3A_204 = arith.select %gt3A_201, %broadcast_in_dim3A_199, %select_n3A_190 : vector<16xi1>, vector<16xi32>
      %select_n3A_205 = arith.select %gt3A_200, %select_n3A_192, %select_n3A_204 : vector<16xi1>, vector<16xi32>
      %select_n3A_206 = arith.select %gt3A_200, %get3A_197, %select_n3A_191 : vector<16xi1>, vector<16xf32>
      %select_n3A_207 = arith.select %gt3A_200, %broadcast_in_dim3A_199, %select_n3A_192 : vector<16xi1>, vector<16xi32>
      %add3A_208 = arith.constant 6656 : i32
      %add3A_209 = arith.addi %add3A_208, %mul3A_22 : i32
      %get3A_210 = arith.index_cast %add3A_209 : i32 to index
      %get3A_211 = tpu.vector_load %arg5[%get3A_210] {strides = array<i32>} : memref<8192xf32, #tpu.memory_space<vmem>>, vector<16xf32>,
      %get3A_212 = vector.shape_cast %get3A_211 : vector<16xf32> to vector<16xf32>
      %broadcast_in_dim3A_213 = arith.constant 13 : i32
      %broadcast_in_dim3A_214 = vector.broadcast %broadcast_in_dim3A_213 : i32 to vector<16xi32>
      %gt3A_215 = arith.cmpf ogt, %get3A_212, %select_n3A_206 : vector<16xf32>
      %gt3A_216 = arith.cmpf ogt, %get3A_212, %select_n3A_203 : vector<16xf32>
      %select_n3A_217 = arith.select %gt3A_216, %get3A_212, %select_n3A_203 : vector<16xi1>, vector<16xf32>
      %select_n3A_218 = arith.select %gt3A_215, %select_n3A_206, %select_n3A_217 : vector<16xi1>, vector<16xf32>
      %select_n3A_219 = arith.select %gt3A_216, %broadcast_in_dim3A_214, %select_n3A_205 : vector<16xi1>, vector<16xi32>
      %select_n3A_220 = arith.select %gt3A_215, %select_n3A_207, %select_n3A_219 : vector<16xi1>, vector<16xi32>
      %select_n3A_221 = arith.select %gt3A_215, %get3A_212, %select_n3A_206 : vector<16xi1>, vector<16xf32>
      %select_n3A_222 = arith.select %gt3A_215, %broadcast_in_dim3A_214, %select_n3A_207 : vector<16xi1>, vector<16xi32>
      %add3A_223 = arith.constant 7168 : i32
      %add3A_224 = arith.addi %add3A_223, %mul3A_22 : i32
      %get3A_225 = arith.index_cast %add3A_224 : i32 to index
      %get3A_226 = tpu.vector_load %arg5[%get3A_225] {strides = array<i32>} : memref<8192xf32, #tpu.memory_space<vmem>>, vector<16xf32>,
      %get3A_227 = vector.shape_cast %get3A_226 : vector<16xf32> to vector<16xf32>
      %broadcast_in_dim3A_228 = arith.constant 14 : i32
      %broadcast_in_dim3A_229 = vector.broadcast %broadcast_in_dim3A_228 : i32 to vector<16xi32>
      %gt3A_230 = arith.cmpf ogt, %get3A_227, %select_n3A_221 : vector<16xf32>
      %gt3A_231 = arith.cmpf ogt, %get3A_227, %select_n3A_218 : vector<16xf32>
      %select_n3A_232 = arith.select %gt3A_231, %get3A_227, %select_n3A_218 : vector<16xi1>, vector<16xf32>
      %select_n3A_233 = arith.select %gt3A_230, %select_n3A_221, %select_n3A_232 : vector<16xi1>, vector<16xf32>
      %select_n3A_234 = arith.select %gt3A_231, %broadcast_in_dim3A_229, %select_n3A_220 : vector<16xi1>, vector<16xi32>
      %select_n3A_235 = arith.select %gt3A_230, %select_n3A_222, %select_n3A_234 : vector<16xi1>, vector<16xi32>
      %select_n3A_236 = arith.select %gt3A_230, %get3A_227, %select_n3A_221 : vector<16xi1>, vector<16xf32>
      %select_n3A_237 = arith.select %gt3A_230, %broadcast_in_dim3A_229, %select_n3A_222 : vector<16xi1>, vector<16xi32>
      %add3A_238 = arith.constant 7680 : i32
      %add3A_239 = arith.addi %add3A_238, %mul3A_22 : i32
      %get3A_240 = arith.index_cast %add3A_239 : i32 to index
      %get3A_241 = tpu.vector_load %arg5[%get3A_240] {strides = array<i32>} : memref<8192xf32, #tpu.memory_space<vmem>>, vector<16xf32>,
      %get3A_242 = vector.shape_cast %get3A_241 : vector<16xf32> to vector<16xf32>
      %broadcast_in_dim3A_243 = arith.constant 15 : i32
      %broadcast_in_dim3A_244 = vector.broadcast %broadcast_in_dim3A_243 : i32 to vector<16xi32>
      %gt3A_245 = arith.cmpf ogt, %get3A_242, %select_n3A_236 : vector<16xf32>
      %gt3A_246 = arith.cmpf ogt, %get3A_242, %select_n3A_233 : vector<16xf32>
      %select_n3A_247 = arith.select %gt3A_246, %get3A_242, %select_n3A_233 : vector<16xi1>, vector<16xf32>
      %select_n3A_248 = arith.select %gt3A_245, %select_n3A_236, %select_n3A_247 : vector<16xi1>, vector<16xf32>
      %select_n3A_249 = arith.select %gt3A_246, %broadcast_in_dim3A_244, %select_n3A_235 : vector<16xi1>, vector<16xi32>
      %select_n3A_250 = arith.select %gt3A_245, %select_n3A_237, %select_n3A_249 : vector<16xi1>, vector<16xi32>
      %select_n3A_251 = arith.select %gt3A_245, %get3A_242, %select_n3A_236 : vector<16xi1>, vector<16xf32>
      %select_n3A_252 = arith.select %gt3A_245, %broadcast_in_dim3A_244, %select_n3A_237 : vector<16xi1>, vector<16xi32>
      %sub3A = arith.subf %select_n3A_248, %select_n3A_251 : vector<16xf32>
      %exp3A = math.exp %sub3A : vector<16xf32>
      %add3A_253 = arith.constant 1.000000e+00 : f32
      %add3A_254 = vector.broadcast %add3A_253 : f32 to vector<16xf32>
      %add3A_255 = arith.addf %add3A_254, %exp3A : vector<16xf32>
      %div3A = arith.constant 1.000000e+00 : f32
      %div3A_256 = vector.broadcast %div3A : f32 to vector<16xf32>
      %div3A_257 = arith.divf %div3A_256, %add3A_255 : vector<16xf32>
      %swap3A = arith.index_cast %mul3A_22 : i32 to index
      %swap3A_258 = tpu.vector_load %arg6[%swap3A] {strides = array<i32>} : memref<1024xf32, #tpu.memory_space<vmem>>, vector<16xf32>,
      %swap3A_259 = vector.shape_cast %swap3A_258 : vector<16xf32> to vector<16xf32>
      %swap3A_260 = vector.shape_cast %div3A_257 : vector<16xf32> to vector<16xf32>
      tpu.vector_store %arg6[%swap3A], %swap3A_260 {strides = array<i32>} : memref<1024xf32, #tpu.memory_space<vmem>>, vector<16xf32>,
      %sub3A_261 = arith.constant 1.000000e+00 : f32
      %sub3A_262 = vector.broadcast %sub3A_261 : f32 to vector<16xf32>
      %sub3A_263 = arith.subf %sub3A_262, %div3A_257 : vector<16xf32>
      %add3A_264 = arith.constant 512 : i32
      %add3A_265 = arith.addi %add3A_264, %mul3A_22 : i32
      %swap3A_266 = arith.index_cast %add3A_265 : i32 to index
      %swap3A_267 = tpu.vector_load %arg6[%swap3A_266] {strides = array<i32>} : memref<1024xf32, #tpu.memory_space<vmem>>, vector<16xf32>,
      %swap3A_268 = vector.shape_cast %swap3A_267 : vector<16xf32> to vector<16xf32>
      %swap3A_269 = vector.shape_cast %sub3A_263 : vector<16xf32> to vector<16xf32>
      tpu.vector_store %arg6[%swap3A_266], %swap3A_269 {strides = array<i32>} : memref<1024xf32, #tpu.memory_space<vmem>>, vector<16xf32>,
      %swap3A_270 = arith.index_cast %mul3A_22 : i32 to index
      %swap3A_271 = tpu.vector_load %arg7[%swap3A_270] {strides = array<i32>} : memref<1024xi32, #tpu.memory_space<vmem>>, vector<16xi32>,
      %swap3A_272 = vector.shape_cast %swap3A_271 : vector<16xi32> to vector<16xi32>
      %swap3A_273 = vector.shape_cast %select_n3A_252 : vector<16xi32> to vector<16xi32>
      tpu.vector_store %arg7[%swap3A_270], %swap3A_273 {strides = array<i32>} : memref<1024xi32, #tpu.memory_space<vmem>>, vector<16xi32>,
      %add3A_274 = arith.constant 512 : i32
      %add3A_275 = arith.addi %add3A_274, %mul3A_22 : i32
      %swap3A_276 = arith.index_cast %add3A_275 : i32 to index
      %swap3A_277 = tpu.vector_load %arg7[%swap3A_276] {strides = array<i32>} : memref<1024xi32, #tpu.memory_space<vmem>>, vector<16xi32>,
      %swap3A_278 = vector.shape_cast %swap3A_277 : vector<16xi32> to vector<16xi32>
      %swap3A_279 = vector.shape_cast %select_n3A_250 : vector<16xi32> to vector<16xi32>
      tpu.vector_store %arg7[%swap3A_276], %swap3A_279 {strides = array<i32>} : memref<1024xi32, #tpu.memory_space<vmem>>, vector<16xi32>,
    }
    %scan3A_9 = arith.constant 32 : i32
    %mul3A_10 = arith.constant 2 : i32
    %mul3A_11 = arith.muli %add3A, %mul3A_10 : i32
    %mul3A_12 = arith.constant 512 : i32
    %mul3A_13 = arith.muli %mul3A_11, %mul3A_12 : i32
    %dma_start3A = tpu.memref_slice %arg3[%mul3A_13] : memref<32768xf32, #tpu.memory_space<hbm>> -> memref<1024xf32, #tpu.memory_space<hbm>>
    %dma_start3A_14 = tpu.memref_slice %arg3[%mul3A_13] : memref<32768xf32, #tpu.memory_space<hbm>> -> memref<1024xf32, #tpu.memory_space<hbm>>
    tpu.enqueue_dma source(%arg6 : memref<1024xf32, #tpu.memory_space<vmem>>) target(%dma_start3A_14 : memref<1024xf32, #tpu.memory_space<hbm>>) target_semaphore(%arg8 : memref<!tpu.dma_semaphore, #tpu.memory_space<semaphore_mem>>)
    %dma_start3A_15 = tpu.memref_slice %arg4[%mul3A_13] : memref<32768xi32, #tpu.memory_space<hbm>> -> memref<1024xi32, #tpu.memory_space<hbm>>
    %dma_start3A_16 = tpu.memref_slice %arg4[%mul3A_13] : memref<32768xi32, #tpu.memory_space<hbm>> -> memref<1024xi32, #tpu.memory_space<hbm>>
    tpu.enqueue_dma source(%arg7 : memref<1024xi32, #tpu.memory_space<vmem>>) target(%dma_start3A_16 : memref<1024xi32, #tpu.memory_space<hbm>>) target_semaphore(%arg8 : memref<!tpu.dma_semaphore, #tpu.memory_space<semaphore_mem>>)
    %dma_wait3A = tpu.memref_slice %arg3[%mul3A_13] : memref<32768xf32, #tpu.memory_space<hbm>> -> memref<1024xf32, #tpu.memory_space<hbm>>
    %dma_wait3A_17 = tpu.memref_slice %arg3[%mul3A_13] : memref<32768xf32, #tpu.memory_space<hbm>> -> memref<1024xf32, #tpu.memory_space<hbm>>
    tpu.wait_dma2 semaphore(%arg8 : memref<!tpu.dma_semaphore, #tpu.memory_space<semaphore_mem>>) src(%arg6 : memref<1024xf32, #tpu.memory_space<vmem>>) dst(%dma_wait3A_17 : memref<1024xf32, #tpu.memory_space<hbm>>)
    %dma_wait3A_18 = tpu.memref_slice %arg4[%mul3A_13] : memref<32768xi32, #tpu.memory_space<hbm>> -> memref<1024xi32, #tpu.memory_space<hbm>>
    %dma_wait3A_19 = tpu.memref_slice %arg4[%mul3A_13] : memref<32768xi32, #tpu.memory_space<hbm>> -> memref<1024xi32, #tpu.memory_space<hbm>>
    tpu.wait_dma2 semaphore(%arg8 : memref<!tpu.dma_semaphore, #tpu.memory_space<semaphore_mem>>) src(%arg7 : memref<1024xi32, #tpu.memory_space<vmem>>) dst(%dma_wait3A_19 : memref<1024xi32, #tpu.memory_space<hbm>>)
    return
  }
}

module attributes {stable_mosaic.version = 14 : i64} {
  func.func @_tc_logits_body(%arg0: i32, %arg1: memref<2048x2048xf32, #tpu.memory_space<vmem>>, %arg2: memref<16x2048xf32, #tpu.memory_space<vmem>>, %arg3: memref<16x128xf32, #tpu.memory_space<vmem>>, %arg4: memref<32768xf32, #tpu.memory_space<vmem>>) attributes {dimension_semantics = [#tpu.dimension_semantics<arbitrary>], iteration_bounds = array<i64: 8>, scalar_prefetch = 0 : i64, scratch_operands = 0 : i64, tpu.core_type = #tpu.core_type<tc>, window_params = [{transform_indices = @transform_0, window_bounds = array<i64: 2048, 2048>}, {pipeline_mode = #tpu.pipeline_mode<synchronous>, transform_indices = @transform_1, window_bounds = array<i64: 16, 2048>}, {pipeline_mode = #tpu.pipeline_mode<synchronous>, transform_indices = @transform_2, window_bounds = array<i64: 16, 128>}, {transform_indices = @transform_3, window_bounds = array<i64: 32768>}]} {
    %get3A = arith.constant 0 : index
    %get3A_0 = arith.constant 0 : index
    %get3A_1 = vector.load %arg2[%get3A, %get3A_0] : memref<16x2048xf32, #tpu.memory_space<vmem>>, vector<16x2048xf32>
    %get3A_2 = arith.constant 0 : index
    %get3A_3 = arith.constant 0 : index
    %get3A_4 = vector.load %arg1[%get3A_2, %get3A_3] : memref<2048x2048xf32, #tpu.memory_space<vmem>>, vector<2048x2048xf32>
    %dot_general3A = arith.constant dense<0.000000e+00> : vector<16x2048xf32>
    %dot_general3A_5 = tpu.matmul %get3A_1, %get3A_4, %dot_general3A {dimension_numbers = #tpu.dot_dimension_numbers<[1], [1], [0], [0], [0, 0, 1, 0], [], []>, transpose_lhs_hint = false} : vector<16x2048xf32>, vector<2048x2048xf32>, vector<16x2048xf32> -> vector<16x2048xf32>
    %get3A_6 = arith.constant 0 : index
    %get3A_7 = arith.constant 0 : index
    %get3A_8 = vector.load %arg3[%get3A_6, %get3A_7] : memref<16x128xf32, #tpu.memory_space<vmem>>, vector<16x1xf32>
    %add3A = vector.broadcast %get3A_8 : vector<16x1xf32> to vector<16x2048xf32>
    %add3A_9 = arith.addf %dot_general3A_5, %add3A : vector<16x2048xf32>
    %slice3A = vector.extract_strided_slice %add3A_9 {offsets = [0, 0], sizes = [16, 512], strides = [1, 1]} : vector<16x2048xf32> to vector<16x512xf32>
    %reshape3A = vector.shape_cast %slice3A : vector<16x512xf32> to vector<8192xf32>
    %swap3A = arith.constant 0 : index
    %swap3A_10 = vector.load %arg4[%swap3A] : memref<32768xf32, #tpu.memory_space<vmem>>, vector<8192xf32>
    tpu.vector_store %arg4[%swap3A], %reshape3A {strides = array<i32>} : memref<32768xf32, #tpu.memory_space<vmem>>, vector<8192xf32>,
    %slice3A_11 = vector.extract_strided_slice %add3A_9 {offsets = [0, 512], sizes = [16, 512], strides = [1, 1]} : vector<16x2048xf32> to vector<16x512xf32>
    %reshape3A_12 = vector.shape_cast %slice3A_11 : vector<16x512xf32> to vector<8192xf32>
    %swap3A_13 = arith.constant 8192 : index
    %swap3A_14 = vector.load %arg4[%swap3A_13] : memref<32768xf32, #tpu.memory_space<vmem>>, vector<8192xf32>
    tpu.vector_store %arg4[%swap3A_13], %reshape3A_12 {strides = array<i32>} : memref<32768xf32, #tpu.memory_space<vmem>>, vector<8192xf32>,
    %slice3A_15 = vector.extract_strided_slice %add3A_9 {offsets = [0, 1024], sizes = [16, 512], strides = [1, 1]} : vector<16x2048xf32> to vector<16x512xf32>
    %reshape3A_16 = vector.shape_cast %slice3A_15 : vector<16x512xf32> to vector<8192xf32>
    %swap3A_17 = arith.constant 16384 : index
    %swap3A_18 = vector.load %arg4[%swap3A_17] : memref<32768xf32, #tpu.memory_space<vmem>>, vector<8192xf32>
    tpu.vector_store %arg4[%swap3A_17], %reshape3A_16 {strides = array<i32>} : memref<32768xf32, #tpu.memory_space<vmem>>, vector<8192xf32>,
    %slice3A_19 = vector.extract_strided_slice %add3A_9 {offsets = [0, 1536], sizes = [16, 512], strides = [1, 1]} : vector<16x2048xf32> to vector<16x512xf32>
    %reshape3A_20 = vector.shape_cast %slice3A_19 : vector<16x512xf32> to vector<8192xf32>
    %swap3A_21 = arith.constant 24576 : index
    %swap3A_22 = vector.load %arg4[%swap3A_21] : memref<32768xf32, #tpu.memory_space<vmem>>, vector<8192xf32>
    tpu.vector_store %arg4[%swap3A_21], %reshape3A_20 {strides = array<i32>} : memref<32768xf32, #tpu.memory_space<vmem>>, vector<8192xf32>,
    return
  }
  func.func @transform_0(%arg0: i32) -> (i32, i32) {
    %add3A = arith.constant 0 : i32
    %add3A_0 = arith.addi %arg0, %add3A : i32
    %c0_i32 = arith.constant 0 : i32
    %c0_i32_1 = arith.constant 0 : i32
    return %add3A_0, %c0_i32 : i32, i32
  }
  func.func @transform_1(%arg0: i32) -> (i32, i32) {
    %c0_i32 = arith.constant 0 : i32
    %c0_i32_0 = arith.constant 0 : i32
    %c0_i32_1 = arith.constant 0 : i32
    return %c0_i32, %c0_i32_0 : i32, i32
  }
  func.func @transform_2(%arg0: i32) -> (i32, i32) {
    %c0_i32 = arith.constant 0 : i32
    %c0_i32_0 = arith.constant 0 : i32
    %c0_i32_1 = arith.constant 0 : i32
    return %c0_i32, %c0_i32_0 : i32, i32
  }
  func.func @transform_3(%arg0: i32) -> i32 {
    %c0_i32 = arith.constant 0 : i32
    return %arg0 : i32
  }
}

</mosaic_0001>

<sc_bundles>
// kernel: kernel.4.cloned.1.call-start
scs
__scs_entry_jumppad:
0x0: {  	(pc) =	sbr.rel $0x88, $3  }
0x1: {  	(tag) =	ssettag $0x0;
	lr =	simm.s32 $0x1  }
0x2: {  	[smem:$0x3F9D] =	sst lr;
	_ =	strace $0xD0000000  }
0x3: {  	_ = 	snop  }
0x4: {  	_ = 	snop  }
0x5: {  	_ = 	snop  }
0x6: {  	_ = 	snop  }
0x7: {  	_ = 	snop  }
__scs_overlays_trampoline_lowered:
0x8: {  	[smem:$0x3FAC] =	sst s0  }
0x9: {  	[smem:$0x3FAD] =	sst s1  }
0xa: {  	[smem:$0x3FAE] =	sst s2  }
0xb: {  	[smem:$0x3FAF] =	sst s3  }
0xc: {  	[smem:$0x3FB0] =	sst s4  }
0xd: {  	[smem:$0x3FB1] =	sst s5  }
0xe: {  	[smem:$0x3FB2] =	sst s6  }
0xf: {  	[smem:$0x3FB3] =	sst s7  }
0x10: {  	[smem:$0x3FB4] =	sst s8  }
0x11: {  	[smem:$0x3FB5] =	sst s9;
	s0 =	simm.s32 @!p0 $0x0  }
0x12: {  	s1 =	sld [smem:$0x3F9B];
	s0 =	simm.s32 @p0 $0x1  }
0x13: {  	[smem:$0x3FB6] =	sst s0;
	s0 =	simm.s32 @!p1 $0x0  }
0x14: {  	s2 =	sld [smem:$0x3F9A];
	s0 =	simm.s32 @p1 $0x1  }
0x15: {  	[smem:$0x3FB7] =	sst s0;
	s0 =	simm.s32 @!p2 $0x0  }
0x16: {  	s3 =	sld [smem:$0x3FDB];
	s0 =	simm.s32 @p2 $0x1  }
0x17: {  	s4 =	simm.s32 $0x1BF5;
	[smem:$0x3FB9] =	sst s0  }
0x18: {  	s0 =	sld [smem:$0x3F9C];
	_ =	swait.ge [sflag:s4], $0x0  }
0x19: {  	s7 =	sld [smem:$0x3F9D]  }
0x1a: {  	s8 =	sadd.s32 $0xFFFFE003, lr  }
0x1b: {  	s9 =	sadd.s32 $0xFFFFFEF7, lr;
	s5 =	simm.s32 $0xFFFFFFFF;
	p2 =	slt.u32 s8, $0xFFFFF086  }
0x1c: {  	p1 =	slt.u32 s9, $0xF7A;
	s5 =	simm.s32 @!p2 $0x0  }
0x1d: {  	s5 =	simm.s32 @p1 $0x1;
	p0 =	seq.s32 s7, s2  }
0x1e: {  	s7 =	smul.u32 @!p0 $0xF7A, s2;
	p2 =	seq.s32 @!p0 s5, $0x0  }
0x1f: {  	s9 =	smul.u32 $0xF7A, s1;
	s8 =	simm.s32 @!p0 $0x1BF5;
	p2 =	por !p2, p0  }
0x20: {  	[sflag:s8] =	ssyncset.s32 @!p0 $0xFFFFF086;
	s6 =	sadd.s32 @!p0 s3, s7;
	s7 =	simm.s32 @!p0 $0x108  }
0x21: {  	s3 =	sadd.s32 s3, s9;
	s6 =	sadd.s32 @!p0 $0x88, s6;
	s7 =	simm.s32 @p2 $0x1082  }
0x22: {  	[simem:s7], [sflag:s8] =	dma.local @!p0 [hbm:s6], $0xF7A  }
0x23: {  	s9 =	sor.u32 $0xD0000000, s2;
	s6 =	simm.s32 $0x108;
	_ =	swait.ge @!p0 [sflag:s8], $0x0  }
0x24: {  	s3 =	sadd.s32 $0x88, s3;
	s6 =	simm.s32 @!p1 $0x1082;
	[sflag:s4] =	ssyncset.s32 $0xFFFFF086  }
0x25: {  	[simem:s6], [sflag:s4] =	dma.local [hbm:s3], $0xF7A  }
0x26: {  	[smem:$0x3F9D] =	sst s1;
	(tag) =	ssettag s2;
	_ =	strace s9  }
0x27: {  	s1 =	sld [smem:$0x3FAD]  }
0x28: {  	s2 =	sld [smem:$0x3FAE]  }
0x29: {  	s4 =	sld [smem:$0x3FB0]  }
0x2a: {  	p0 =	seq.s32 s5, $0x0;
	s5 =	sld [smem:$0x3FB1]  }
0x2b: {  	s6 =	sld [smem:$0x3FB2]  }
0x2c: {  	s7 =	sld [smem:$0x3FB3]  }
0x2d: {  	s3 =	simm.s32 $0x108;
	s8 =	sld [smem:$0x3FB4]  }
0x2e: {  	s3 =	simm.s32 @!p0 $0x1082;
	s9 =	sld [smem:$0x3FB5]  }
0x2f: {  	lr =	sadd.s32 s0, s3;
	s0 =	sld [smem:$0x3FAC]  }
0x30: {  	s3 =	sld [smem:$0x3FAF]  }
0x31: {  	[smem:$0x3FB8] =	sst s10  }
0x32: {  	s10 =	sld [smem:$0x3FB6];
	_ =	sdelay $0x3  }
0x33: {  	p0 =	seq.s32 s10, $0x1;
	s10 =	sld [smem:$0x3FB8];
	_ =	sdelay $0x3  }
0x34: {  	[smem:$0x3FB8] =	sst s10  }
0x35: {  	s10 =	sld [smem:$0x3FB7];
	_ =	sdelay $0x3  }
0x36: {  	p1 =	seq.s32 s10, $0x1;
	s10 =	sld [smem:$0x3FB8];
	_ =	sdelay $0x3  }
0x37: {  	[smem:$0x3FB8] =	sst s10  }
0x38: {  	s10 =	sld [smem:$0x3FB9]  }
0x39: {  	_ = 	snop;
	(pc) =	sbr.ind lr, $3  }
0x3a: {  	_ = 	snop  }
0x3b: {  	_ = 	snop  }
0x3c: {  	p2 =	seq.s32 s10, $0x1;
	s10 =	sld [smem:$0x3FB8]  }
0x3d: {  	_ =	shalt  }
0x3e: {  	_ =	shalt  }
0x3f: {  	_ =	shalt  }
0x40: {  	_ =	shalt  }
0x41: {  	_ =	shalt  }
0x42: {  	_ =	shalt  }
0x43: {  	_ =	shalt  }
0x44: {  	_ =	shalt  }
0x45: {  	_ =	shalt  }
0x46: {  	_ =	shalt  }
0x47: {  	_ =	shalt  }
0x48: {  	_ =	shalt  }
0x49: {  	_ =	shalt  }
0x4a: {  	_ =	shalt  }
0x4b: {  	_ =	shalt  }
0x4c: {  	_ =	shalt  }
0x4d: {  	_ =	shalt  }
0x4e: {  	_ =	shalt  }
0x4f: {  	_ =	shalt  }
0x50: {  	_ =	shalt  }
0x51: {  	_ =	shalt  }
0x52: {  	_ =	shalt  }
0x53: {  	_ =	shalt  }
0x54: {  	_ =	shalt  }
0x55: {  	_ =	shalt  }
0x56: {  	_ =	shalt  }
0x57: {  	_ =	shalt  }
0x58: {  	_ =	shalt  }
0x59: {  	_ =	shalt  }
0x5a: {  	_ =	shalt  }
0x5b: {  	_ =	shalt  }
0x5c: {  	_ =	shalt  }
0x5d: {  	_ =	shalt  }
0x5e: {  	_ =	shalt  }
0x5f: {  	_ =	shalt  }
0x60: {  	_ =	shalt  }
0x61: {  	_ =	shalt  }
0x62: {  	_ =	shalt  }
0x63: {  	_ =	shalt  }
0x64: {  	_ =	shalt  }
0x65: {  	_ =	shalt  }
0x66: {  	_ =	shalt  }
0x67: {  	_ =	shalt  }
0x68: {  	_ =	shalt  }
0x69: {  	_ =	shalt  }
0x6a: {  	_ =	shalt  }
0x6b: {  	_ =	shalt  }
0x6c: {  	_ =	shalt  }
0x6d: {  	_ =	shalt  }
0x6e: {  	_ =	shalt  }
0x6f: {  	_ =	shalt  }
0x70: {  	_ =	shalt  }
0x71: {  	_ =	shalt  }
0x72: {  	_ =	shalt  }
0x73: {  	_ =	shalt  }
0x74: {  	_ =	shalt  }
0x75: {  	_ =	shalt  }
0x76: {  	_ =	shalt  }
0x77: {  	_ =	shalt  }
0x78: {  	_ =	shalt  }
0x79: {  	_ =	shalt  }
0x7a: {  	_ =	shalt  }
0x7b: {  	_ =	shalt  }
0x7c: {  	_ =	shalt  }
0x7d: {  	_ =	shalt  }
0x7e: {  	_ =	shalt  }
0x7f: {  	_ =	shalt  }
0x80: {  	_ =	shalt  }
0x81: {  	_ =	shalt  }
0x82: {  	_ =	shalt  }
0x83: {  	_ =	shalt  }
0x84: {  	_ =	shalt  }
0x85: {  	_ =	shalt  }
0x86: {  	_ =	shalt  }
0x87: {  	_ =	shalt  }
.Lfunc_end0:
.L_simem_size_0:
called_computation_lowered:
.L_overlay_start_0:
0x88: {  	s2 =	sld [smem:$0x3FD9]  }
0x89: {  	s3 =	sld [smem:$0x3FFE];
	_ =	sdelay $0x1  }
0x8a: {  	s1 =	srdreg.scid  }
0x8b: {  	s0 =	sand.u32 $0x1, s1  }
0x8c: {  	s14 =	sshll.u32 s0, $0xA;
	s2 =	sadd.s32 s3, s2  }
0x8d: {  	s2 =	sadd.s32 s2, s14  }
0x8e: {  	[smem:$0x3FC4] =	sst s2  }
0x8f: {  	_ = 	snop  }
0x90: {  	s2 =	sld [smem:$0x3FD0];
	_ =	sdelay $0x2  }
0x91: {  	s15 =	simm.s32 $0xA;
	s4 =	simm.s32 $0x10  }
0x92: {  	[smem:s4], [sflag:s15] =	dma.local [hbm:s2], $0x1  }
0x93: {  	_ =	swait.eq [sflag:s15], $0x1  }
0x94: {  	[sflag:s15] =	ssyncset.done $0x0  }
0x95: {  	s16 =	sld [smem:$0x10];
	[sflag:s15] =	ssyncadd.s32 $0xFFFFFFFF  }
0x96: {  	s17 =	sld [smem:$0x11];
	(tm) =	ssettm $0x1  }
0x97: {  	s18 =	sld [smem:$0x3FFB];
	_ =	sdelay $0x3  }
0x98: {  	_ =	strace s18  }
0x99: {  	s4 =	sld [smem:$0x3FFC];
	_ =	sdelay $0x3  }
0x9a: {  	_ =	strace s4  }
0x9b: {  	s4 =	sld [smem:$0x3FFD];
	_ =	sdelay $0x3  }
0x9c: {  	_ =	strace s4  }
0x9d: {  	_ =	strace $0x8FFFFFFF  }
0x9e: {  	s19 =	sld [smem:$0x3FDB];
	_ =	sdelay $0x1  }
0x9f: {  	s5 =	simm.s32 $_scs_section_size  }
0xa0: {  	s6 =	simm.s32 $_size__tile_overlayer_lowered;
	s7 =	simm.s32 $_tile_overlayer_lowered  }
0xa1: {  	s22 =	simm.s32 $0x1BFF;
	s21 =	sshll.u32 s7, $0x1;
	s4 =	sadd.s32 s5, s19  }
0xa2: {  	s8 =	simm.s32 $0x0;
	s20 =	sshll.u32 s6, $0x1;
	s6 =	sadd.s32 s21, s4  }
0xa3: {  	[timem:s8], [sflag:s22] =	dma.local [hbm:s6], s20  }
0xa4: {  	_ =	swait.ge [sflag:s22], s20  }
0xa5: {  	s5 =	ssub.s32 $0x0, s20;
	[sflag:s22] =	ssyncset.done $0x0  }
0xa6: {  	[sflag:s22] =	ssyncadd.s32 s5;
	_ =	sdelay $0x1  }
0xa7: {  	s23 =	simm.s32 $0x1B8B  }
0xa8: {  	_ =	swait.ge [sflag:s23], $0x1  }
0xa9: {  	[sflag:s23] =	ssyncset.done $0x0  }
0xaa: {  	s25 =	simm.s32 $0x1B8E;
	s24 =	sld [smem:$0x3FFE];
	[sflag:s23] =	ssyncadd.s32 $0xFFFFFFFF  }
0xab: {  	s26 =	simm.s32 $execute0_lowered;
	[smem:$0x3FD2] =	sst s25  }
0xac: {  	s6 =	sshll.u32 s26, $0x1;
	_ =	strace $0x80000046;
	[dreg:$0x1] =	wrdreg $0xFFFFFFFF  }
0xad: {  	s28 =	simm.s32 $_size_execute0_lowered;
	s4 =	sadd.s32 s4, s6;
	[dreg:$0x0] =	wrdreg $0x0  }
0xae: {  	s6 =	sshll.u32 s28, $0x1;
	[dreg:$0x2] =	wrdreg s4  }
0xaf: {  	[dreg:$0x3] =	wrdreg s6  }
0xb0: {  	[dreg:$0x4] =	wrdreg $0xC0  }
0xb1: {  	_ =	task [dreg:s8], $0x5FFFF  }
0xb2: {  	[dreg:$0x1] =	wrdreg $0xFFFFFFFF  }
0xb3: {  	[dreg:$0x0] =	wrdreg $0x60  }
0xb4: {  	[dreg:$0x2] =	wrdreg s24  }
0xb5: {  	[dreg:$0x3] =	wrdreg s17  }
0xb6: {  	[dreg:$0x4] =	wrdreg s16  }
0xb7: {  	[dreg:$0x5] =	wrdreg $0x9  }
0xb8: {  	_ =	task.clear_ibuf [dreg:s8], $0x6FFFF;
	_ =	strace $0x90000046  }
0xb9: {  	s29 =	simm.s32 $0x9;
	_ =	strace $0x80000048  }
0xba: {  	_ =	swait.ge [sflag:s29], $0x1  }
0xbb: {  	[sflag:s29] =	ssyncadd.s32 $0xFFFFFFFF  }
0xbc: {  	_ =	strace $0x90000048  }
0xbd: {  	_ =	sfence  }
0xbe: {  	s30 =	sld [smem:$0x0];
	_ =	sdelay $0x2  }
0xbf: {  	s31 =	sshll.u32 s1, $0xD;
	s1 =	sshrl.u32 s1, $0x2  }
0xc0: {  	s3 =	sand.u32 $0x4000, s31;
	s1 =	sadd.s32 s1, s30  }
0xc1: {  	s0 =	sor.u32 s3, s0;
	s1 =	sshll.u32 s1, $0x11  }
0xc2: {  	s0 =	sor.u32 s1, s0  }
0xc3: {  	s0 =	sadd.s32 $0x8F2B, s0  }
0xc4: {  	[sflag:s0] =	ssyncadd.remote.s32 $0x1  }
0xc5: {  	_ =	sfence.sel $0xFFFF  }
0xc6: {  	[dreg:$0x0] =	wrdreg $0xFFFFFFFF;
	(pc) =	sbr.abs _section_cstart, $3  }
0xc7: {  	[dreg:$0x1] =	wrdreg $0xFFFFFFFF  }
0xc8: {  	_ =	task.clear_ibuf [dreg:s8], $0x2FFFF;
	_ =	strace $0x9FFFFFFF  }
0xc9: {  	(tm) =	ssettm $0x7FFFFFFF  }
tec
execute0_lowered:
.L_overlay_start_1:
0x0: {  	(tag) =	ssettag $0x1  }
0x1: {  	s3 =	rddreg [dreg:$0x0]  }
0x2: {  	s4 =	rddreg [dreg:$0x1]  }
0x3: {  	s5 =	rddreg [dreg:$0x2]  }
0x4: {  	s0 =	rddreg [dreg:$0x3]  }
0x5: {  	s6 =	srdreg.scid;
	s1 =	stileid.u32  }
0x6: {  	s2 =	simm.s32 $0x0;
	s10 =	simm.s32 $0x1;
	s11 =	simm.s32 $0x0  }
0x7: {  	s6 =	sand.u32 $0x1, s6;
	s7 =	sshll.u32 s1, $0x1;
	[smem:$0x7FF] =	sst s2  }
0x8: {  	s7 =	sor.u32 s6, s7;
	s6 =	ssub.s32 $0x2, s6;
	_ =	strace $0x80000047  }
0x9: {  	s8 =	sshll.u32 s7, $0xA;
	s9 =	sshrl.u32 s6, $0x1;
	s7 =	sshll.u32 s7, $0x7  }
0xa: {  	s3 =	sadd.s32 s8, s3;
	s6 =	ssub.s32 s6, s9;
	s4 =	sadd.s32 s4, s7  }
0xb: {  	s5 =	sadd.s32 s5, s7;
	s7 =	simm.s32 $0x2;
	s8 =	simm.s32 $0x2000  }
0xc: {  	v0 =	vimm.s32 $0x0;
	s9 =	simm.s32 $0x2400;
	s3 =	sadd.s32 $0x1000, s3;
	s6 =	smax.u32 s6, $0x1  }
.LBB2_1:
0xd: {  	[tilespmem:s2], [sflag:$0x2] =	stream.linear.gather [hbm4b:s3+s2], $0x2000, $0x38;
	[tilespmem:$0x2800] =	vst v63  }
0xe: {  	_ =	swait.ge [sflag:s7], $0x2000  }
0xf: {  	[sflag:s7] =	ssyncset.done $0x0  }
0x10: {  	s12 =	simm.s32 $0x200;
	[sflag:s7] =	ssyncadd.s32 $0xFFFFE000  }
0x11: {  	v1 =	vld [tilespmem:s12+$0x0]  }
0x12: {  	v2 =	vld [tilespmem:s12+$0xFFFFFE00];
	_ =	sdelay $0x2  }
0x13: {  	s31 =	sand.u32 $0x1F0, s2  }
0x14: {  	v3 =	vld [tilespmem:s31+$0x400]  }
0x15: {  	vm0 =	vlt.f32 v1, $-Inf;
	vm1 =	vgt.f32 v1, $-Inf;
	vm2 =	vgt.f32 v1, v2  }
0x16: {  	v5 =	vimm.s32 $0x0;
	vm0 =	vmor vm1, vm0;
	vm13 =	vmneg vm2  }
0x17: {  	v48 =	vld [tilespmem:s31+$0x600];
	v5 =	vsel vm13, $0xFFFFFFFF, v5;
	v49 =	vnsel vm0, $0xFF800000, v1  }
0x18: {  	[tilespmem:$0x1FEF0] =	vst v5;
	v5 =	vsel vm13, v49, v2  }
0x19: {  	v1 =	vsel vm13, v2, v1;
	v2 =	vimm.s32 $0x0;
	vm14 =	vgt.f32 v3, v5  }
0x1a: {  	vm11 =	vgt.f32 v3, v1;
	v2 =	vsel vm14, $0xFFFFFFFF, v2;
	v5 =	vsel vm14, v3, v5  }
0x1b: {  	[tilespmem:$0x1FF20] =	vst v2;
	v2 =	vld [tilespmem:s31+$0x800];
	v5 =	vsel vm11, v1, v5  }
0x1c: {  	v1 =	vsel vm11, v3, v1;
	v3 =	vimm.s32 $0x0;
	vm15 =	vgt.f32 v48, v5  }
0x1d: {  	v3 =	vsel vm15, $0xFFFFFFFF, v3  }
0x1e: {  	vm9 =	vgt.f32 v48, v1;
	v5 =	vsel vm15, v48, v5;
	[tilespmem:$0x1FF30] =	vst v3;
	v3 =	vld [tilespmem:s31+$0xA00]  }
0x1f: {  	v5 =	vsel vm9, v1, v5  }
0x20: {  	v1 =	vsel vm9, v48, v1;
	vm4 =	vgt.f32 v2, v5  }
0x21: {  	v51 =	vld [tilespmem:s31+$0xC00];
	vm8 =	vgt.f32 v2, v1;
	v5 =	vsel vm4, v2, v5  }
0x22: {  	v5 =	vsel vm8, v1, v5  }
0x23: {  	v1 =	vsel vm8, v2, v1;
	v2 =	vimm.s32 $0x0;
	vm5 =	vgt.f32 v3, v5  }
0x24: {  	vm10 =	vgt.f32 v3, v1;
	v2 =	vsel vm5, $0xFFFFFFFF, v2;
	v5 =	vsel vm5, v3, v5  }
0x25: {  	[tilespmem:$0x1FF50] =	vst v2;
	v2 =	vld [tilespmem:s31+$0xE00];
	v5 =	vsel vm10, v1, v5  }
0x26: {  	v1 =	vsel vm10, v3, v1;
	v3 =	vimm.s32 $0x0;
	vm6 =	vgt.f32 v51, v5  }
0x27: {  	v3 =	vsel vm6, $0xFFFFFFFF, v3  }
0x28: {  	v4 =	vimm.s32 $0x0;
	vm12 =	vgt.f32 v51, v1;
	v5 =	vsel vm6, v51, v5;
	[tilespmem:$0x1FF60] =	vst v3;
	v3 =	vld [tilespmem:s31+$0x1000]  }
0x29: {  	v47 =	vimm.s32 $0x0;
	v50 =	vimm.s32 $0x0;
	v5 =	vsel vm12, v1, v5  }
0x2a: {  	v4 =	vsel vm2, $0xFFFFFFFF, v4;
	v1 =	vsel vm12, v51, v1;
	vm7 =	vgt.f32 v2, v5  }
0x2b: {  	v53 =	vld [tilespmem:s31+$0x1200];
	[tilespmem:$0x1FF10] =	vst v4;
	v4 =	vsel vm0, $0xFFFFFFFF, v47;
	vm14 =	vgt.f32 v2, v1;
	v5 =	vsel vm7, v2, v5  }
0x2c: {  	[tilespmem:$0x1FF00] =	vst v4;
	v4 =	vsel vm4, $0xFFFFFFFF, v50;
	v5 =	vsel vm14, v1, v5  }
0x2d: {  	v1 =	vsel vm14, v2, v1;
	v2 =	vimm.s32 $0x0;
	vm4 =	vgt.f32 v3, v5  }
0x2e: {  	vm15 =	vgt.f32 v3, v1;
	v2 =	vsel vm4, $0xFFFFFFFF, v2;
	v5 =	vsel vm4, v3, v5  }
0x2f: {  	[tilespmem:$0x1FF80] =	vst v2;
	v2 =	vld [tilespmem:s31+$0x1400];
	v5 =	vsel vm15, v1, v5  }
0x30: {  	v1 =	vsel vm15, v3, v1;
	v3 =	vimm.s32 $0x0;
	vm5 =	vgt.f32 v53, v5  }
0x31: {  	v52 =	vimm.s32 $0x0;
	[tilespmem:$0x1FF40] =	vst v4;
	v3 =	vsel vm5, $0xFFFFFFFF, v3  }
0x32: {  	v4 =	vsel vm7, $0xFFFFFFFF, v52;
	vm7 =	vgt.f32 v53, v1;
	v5 =	vsel vm5, v53, v5;
	[tilespmem:$0x1FF90] =	vst v3;
	v3 =	vld [tilespmem:s31+$0x1600]  }
0x33: {  	v5 =	vsel vm7, v1, v5  }
0x34: {  	v54 =	vimm.s32 $0x0;
	v1 =	vsel vm7, v53, v1;
	vm6 =	vgt.f32 v2, v5  }
0x35: {  	v55 =	vld [tilespmem:s31+$0x1800];
	[tilespmem:$0x1FF70] =	vst v4;
	v4 =	vsel vm6, $0xFFFFFFFF, v54;
	v5 =	vsel vm6, v2, v5;
	vm6 =	vgt.f32 v2, v1  }
0x36: {  	v5 =	vsel vm6, v1, v5  }
0x37: {  	v1 =	vsel vm6, v2, v1;
	v2 =	vimm.s32 $0x0;
	vm13 =	vgt.f32 v3, v5  }
0x38: {  	vm5 =	vgt.f32 v3, v1;
	v2 =	vsel vm13, $0xFFFFFFFF, v2;
	v5 =	vsel vm13, v3, v5  }
0x39: {  	[tilespmem:$0x1FFB0] =	vst v2;
	v2 =	vld [tilespmem:s31+$0x1A00];
	v5 =	vsel vm5, v1, v5  }
0x3a: {  	v1 =	vsel vm5, v3, v1;
	v3 =	vimm.s32 $0x0;
	vm4 =	vgt.f32 v55, v5  }
0x3b: {  	v3 =	vsel vm4, $0xFFFFFFFF, v3  }
0x3c: {  	v5 =	vsel vm4, v55, v5;
	vm4 =	vgt.f32 v55, v1;
	[tilespmem:$0x1FFC0] =	vst v3;
	v3 =	vld [tilespmem:s31+$0x1C00]  }
0x3d: {  	v5 =	vsel vm4, v1, v5  }
0x3e: {  	v56 =	vimm.s32 $0x0;
	v1 =	vsel vm4, v55, v1;
	vm13 =	vgt.f32 v2, v5  }
0x3f: {  	[tilespmem:$0x1FFA0] =	vst v4;
	vm1 =	vgt.f32 v2, v1;
	v4 =	vsel vm13, $0xFFFFFFFF, v56;
	v57 =	vsel vm13, v2, v5  }
0x40: {  	v58 =	vld [tilespmem:s31+$0x1E00];
	[tilespmem:$0x1FFD0] =	vst v4;
	v4 =	vsel vm1, v1, v57  }
0x41: {  	v1 =	vsel vm1, v2, v1;
	v2 =	vimm.s32 $0x0;
	vm13 =	vgt.f32 v3, v4  }
0x42: {  	v2 =	vsel vm13, $0xFFFFFFFF, v2  }
0x43: {  	vm2 =	vgt.f32 v3, v1;
	[tilespmem:$0x1FFE0] =	vst v2;
	v2 =	vsel vm13, v3, v4  }
0x44: {  	v2 =	vsel vm2, v1, v2  }
0x45: {  	v1 =	vsel vm2, v3, v1;
	v3 =	vimm.s32 $0x0;
	vm13 =	vgt.f32 v58, v2  }
0x46: {  	v3 =	vsel vm13, $0xFFFFFFFF, v3  }
0x47: {  	[tilespmem:$0x1FFF0] =	vst v3;
	v3 =	vld [tilespmem:$0x1FEF0];
	_ =	sdelay $0x3  }
0x48: {  	vm3 =	vgt.f32 v58, v1;
	v2 =	vsel vm13, v58, v2  }
0x49: {  	v2 =	vsel vm3, v1, v2;
	v1 =	vsel vm3, v58, v1;
	vm0 =	vnez.u8 v3;
	v3 =	vld [tilespmem:$0x1FF00]  }
0x4a: {  	v1 =	vsub.f32 v2, v1;
	v2 =	vld [tilespmem:$0x1FF10]  }
0x4b: {  	v59 =	vld [tilespmem:$0x1FF20];
	_ =	sdelay $0x1  }
0x4c: {  	v60 =	vld [tilespmem:$0x1FF30]  }
0x4d: {  	vm13 =	vnez.u8 v3  }
0x4e: {  	vm0 =	vmand vm0, vm13;
	vm13 =	vnez.u8 v2  }
0x4f: {  	v3 =	vsel vm0, $0x1, v0;
	v2 =	vsel vm13, $0x1, v0;
	vm13 =	vnez.u8 v59  }
0x50: {  	v1 =	vmul.f32 $1.442695020e+00, v1;
	v3 =	vsel vm13, $0x2, v3  }
0x51: {  	v3 =	vsel vm11, v2, v3;
	v2 =	vsel vm11, $0x2, v2;
	vm11 =	vnez.u8 v60  }
0x52: {  	v3 =	vsel vm11, $0x3, v3  }
0x53: {  	(erf) = vpow2.f32 v1;
	v1 =	vsel vm9, v2, v3;
	v3 =	vld [tilespmem:$0x1FF40];
	_ =	sdelay $0x4  }
0x54: {  	vm13 =	vnez.u8 v3;
	v3 =	vld [tilespmem:$0x1FF50];
	_ =	sdelay $0x4  }
0x55: {  	v2 =	vsel vm9, $0x3, v2;
	vm9 =	vnez.u8 v3;
	v3 =	vld [tilespmem:$0x1FF60];
	_ =	sdelay $0x4  }
0x56: {  	vm11 =	vnez.u8 v3;
	v3 =	vld [tilespmem:$0x1FF70];
	_ =	sdelay $0x4  }
0x57: {  	v1 =	vsel vm13, $0x4, v1;
	vm13 =	vnez.u8 v3;
	v3 =	vld [tilespmem:$0x1FF80];
	_ =	sdelay $0x4  }
0x58: {  	v1 =	vsel vm8, v2, v1;
	v2 =	vsel vm8, $0x4, v2;
	vm8 =	vnez.u8 v3;
	v3 =	vpop (erf)  }
0x59: {  	v3 =	vadd.f32 $1.000000000e+00, v3;
	_ =	sdelay $0x1  }
0x5a: {  	(erf) = vrcp.f32 v3;
	v3 =	vld [tilespmem:$0x1FFA0];
	_ =	sdelay $0x3  }
0x5b: {  	v1 =	vsel vm9, $0x5, v1  }
0x5c: {  	v1 =	vsel vm10, v2, v1;
	v2 =	vsel vm10, $0x5, v2;
	vm10 =	vnez.u8 v3;
	v3 =	vld [tilespmem:$0x1FFB0];
	_ =	sdelay $0x3  }
0x5d: {  	v61 =	vld [tilespmem:$0x1FF90]  }
0x5e: {  	v1 =	vsel vm11, $0x6, v1;
	vm11 =	vnez.u8 v3;
	v3 =	vld [tilespmem:$0x1FFC0]  }
0x5f: {  	v1 =	vsel vm12, v2, v1  }
0x60: {  	v2 =	vsel vm12, $0x6, v2;
	v1 =	vsel vm13, $0x7, v1  }
0x61: {  	v1 =	vsel vm14, v2, v1  }
0x62: {  	v2 =	vsel vm14, $0x7, v2;
	v1 =	vsel vm8, $0x8, v1  }
0x63: {  	vm9 =	vnez.u8 v61;
	v1 =	vsel vm15, v2, v1;
	vm12 =	vnez.u8 v3;
	v3 =	vld [tilespmem:$0x1FFD0]  }
0x64: {  	v2 =	vsel vm15, $0x8, v2;
	v1 =	vsel vm9, $0x9, v1  }
0x65: {  	v1 =	vsel vm7, v2, v1  }
0x66: {  	v2 =	vsel vm7, $0x9, v2;
	v1 =	vsel vm10, $0xA, v1  }
0x67: {  	v1 =	vsel vm6, v2, v1  }
0x68: {  	v2 =	vsel vm6, $0xA, v2;
	v1 =	vsel vm11, $0xB, v1;
	vm13 =	vnez.u8 v3;
	v3 =	vld [tilespmem:$0x1FFE0]  }
0x69: {  	v1 =	vsel vm5, v2, v1  }
0x6a: {  	v63 =	vld [tilespmem:$0x1FFF0];
	v2 =	vsel vm5, $0xB, v2;
	v1 =	vsel vm12, $0xC, v1  }
0x6b: {  	v1 =	vsel vm4, v2, v1  }
0x6c: {  	v2 =	vsel vm4, $0xC, v2;
	v1 =	vsel vm13, $0xD, v1  }
0x6d: {  	v1 =	vsel vm1, v2, v1;
	vm14 =	vnez.u8 v3  }
0x6e: {  	v2 =	vsel vm1, $0xD, v2;
	v3 =	vpop (erf);
	v1 =	vsel vm14, $0xE, v1  }
0x6f: {  	s13 =	simm.s32 $0x2200;
	vm15 =	vnez.u8 v63;
	v62 =	vsub.f32 $1.000000000e+00, v3;
	v1 =	vsel vm2, v2, v1  }
0x70: {  	[tilespmem:s13+$0xFFFFFE00] =	vst v3;
	v2 =	vsel vm2, $0xE, v2;
	v1 =	vsel vm15, $0xF, v1  }
0x71: {  	s12 =	simm.s32 $0x2600;
	[tilespmem:s13+$0x0] =	vst v62;
	v1 =	vsel vm3, v2, v1  }
0x72: {  	v2 =	vsel vm3, $0xF, v2;
	[tilespmem:s12+$0x0] =	vst v1  }
0x73: {  	s14 =	simm.s32 $0x210;
	[tilespmem:s12+$0xFFFFFE00] =	vst v2  }
0x74: {  	s15 =	simm.s32 $0x10;
	v1 =	vld [tilespmem:s14+$0x0]  }
0x75: {  	s16 =	simm.s32 $0x20;
	s15 =	sand.u32 $0x1F0, s15;
	v2 =	vld [tilespmem:s14+$0xFFFFFE00]  }
.LBB2_2:
0x76: {  	p0 =	sne.s32 s16, $0x1F0;
	v3 =	vld [tilespmem:s15+$0x400]  }
0x77: {  	v4 =	vld [tilespmem:s15+$0x600]  }
0x78: {  	v5 =	vld [tilespmem:s15+$0x800]  }
0x79: {  	vm0 =	vlt.f32 v1, $-Inf;
	vm1 =	vgt.f32 v1, $-Inf;
	v6 =	vld [tilespmem:s15+$0xA00]  }
0x7a: {  	vm2 =	vgt.f32 v1, v2;
	vm0 =	vmor vm1, vm0;
	v7 =	vld [tilespmem:s15+$0xC00]  }
0x7b: {  	vm1 =	vmneg vm2;
	v8 =	vnsel vm0, $0xFF800000, v1;
	v9 =	vsel vm2, $0x1, v0;
	v10 =	vld [tilespmem:s15+$0xE00]  }
0x7c: {  	v8 =	vsel vm1, v8, v2;
	vm0 =	vmand vm1, vm0;
	v11 =	vld [tilespmem:s15+$0x1000]  }
0x7d: {  	v1 =	vsel vm1, v2, v1;
	v12 =	vsel vm0, $0x1, v0;
	vm0 =	vgt.f32 v3, v8;
	v2 =	vld [tilespmem:s15+$0x1200]  }
0x7e: {  	vm1 =	vgt.f32 v3, v1;
	v8 =	vsel vm0, v3, v8;
	v12 =	vsel vm0, $0x2, v12;
	v13 =	vld [tilespmem:s15+$0x1400]  }
0x7f: {  	v8 =	vsel vm1, v1, v8;
	v12 =	vsel vm1, v9, v12;
	v9 =	vsel vm1, $0x2, v9;
	v14 =	vld [tilespmem:s15+$0x1600]  }
0x80: {  	v1 =	vsel vm1, v3, v1;
	vm0 =	vgt.f32 v4, v8;
	v3 =	vld [tilespmem:s15+$0x1800]  }
0x81: {  	vm1 =	vgt.f32 v4, v1;
	v8 =	vsel vm0, v4, v8;
	v12 =	vsel vm0, $0x3, v12;
	v15 =	vld [tilespmem:s15+$0x1A00]  }
0x82: {  	v8 =	vsel vm1, v1, v8;
	v12 =	vsel vm1, v9, v12;
	v9 =	vsel vm1, $0x3, v9;
	v16 =	vld [tilespmem:s15+$0x1C00]  }
0x83: {  	v1 =	vsel vm1, v4, v1;
	vm0 =	vgt.f32 v5, v8  }
0x84: {  	vm1 =	vgt.f32 v5, v1;
	v4 =	vsel vm0, v5, v8;
	v8 =	vsel vm0, $0x4, v12  }
0x85: {  	v4 =	vsel vm1, v1, v4;
	v8 =	vsel vm1, v9, v8;
	v9 =	vsel vm1, $0x4, v9  }
0x86: {  	v1 =	vsel vm1, v5, v1;
	vm0 =	vgt.f32 v6, v4  }
0x87: {  	vm1 =	vgt.f32 v6, v1;
	v4 =	vsel vm0, v6, v4;
	v5 =	vsel vm0, $0x5, v8  }
0x88: {  	v8 =	vsel vm1, $0x5, v9;
	v4 =	vsel vm1, v1, v4;
	v5 =	vsel vm1, v9, v5  }
0x89: {  	v1 =	vsel vm1, v6, v1;
	vm0 =	vgt.f32 v7, v4  }
0x8a: {  	vm1 =	vgt.f32 v7, v1;
	v4 =	vsel vm0, v7, v4;
	v5 =	vsel vm0, $0x6, v5  }
0x8b: {  	v6 =	vsel vm1, $0x6, v8;
	v4 =	vsel vm1, v1, v4;
	v5 =	vsel vm1, v8, v5  }
0x8c: {  	v1 =	vsel vm1, v7, v1;
	vm0 =	vgt.f32 v10, v4  }
0x8d: {  	vm1 =	vgt.f32 v10, v1;
	v4 =	vsel vm0, v10, v4;
	v5 =	vsel vm0, $0x7, v5  }
0x8e: {  	v4 =	vsel vm1, v1, v4;
	v5 =	vsel vm1, v6, v5;
	v6 =	vsel vm1, $0x7, v6  }
0x8f: {  	v1 =	vsel vm1, v10, v1;
	vm0 =	vgt.f32 v11, v4  }
0x90: {  	vm1 =	vgt.f32 v11, v1;
	v4 =	vsel vm0, v11, v4;
	v5 =	vsel vm0, $0x8, v5  }
0x91: {  	v4 =	vsel vm1, v1, v4;
	v5 =	vsel vm1, v6, v5;
	v6 =	vsel vm1, $0x8, v6  }
0x92: {  	v1 =	vsel vm1, v11, v1;
	vm0 =	vgt.f32 v2, v4  }
0x93: {  	vm1 =	vgt.f32 v2, v1;
	v4 =	vsel vm0, v2, v4;
	v5 =	vsel vm0, $0x9, v5  }
0x94: {  	v4 =	vsel vm1, v1, v4;
	v5 =	vsel vm1, v6, v5;
	v6 =	vsel vm1, $0x9, v6  }
0x95: {  	v1 =	vsel vm1, v2, v1;
	vm0 =	vgt.f32 v13, v4  }
0x96: {  	vm1 =	vgt.f32 v13, v1;
	v2 =	vsel vm0, v13, v4;
	v4 =	vsel vm0, $0xA, v5  }
0x97: {  	v5 =	vsel vm1, $0xA, v6;
	v2 =	vsel vm1, v1, v2;
	v4 =	vsel vm1, v6, v4  }
0x98: {  	v1 =	vsel vm1, v13, v1;
	vm0 =	vgt.f32 v14, v2  }
0x99: {  	vm1 =	vgt.f32 v14, v1;
	v2 =	vsel vm0, v14, v2;
	v4 =	vsel vm0, $0xB, v4  }
0x9a: {  	v2 =	vsel vm1, v1, v2;
	v4 =	vsel vm1, v5, v4;
	v5 =	vsel vm1, $0xB, v5  }
0x9b: {  	v1 =	vsel vm1, v14, v1;
	vm0 =	vgt.f32 v3, v2  }
0x9c: {  	vm1 =	vgt.f32 v3, v1;
	v2 =	vsel vm0, v3, v2;
	v4 =	vsel vm0, $0xC, v4  }
0x9d: {  	v2 =	vsel vm1, v1, v2;
	v4 =	vsel vm1, v5, v4;
	v5 =	vsel vm1, $0xC, v5  }
0x9e: {  	v1 =	vsel vm1, v3, v1;
	vm0 =	vgt.f32 v15, v2  }
0x9f: {  	vm1 =	vgt.f32 v15, v1;
	v2 =	vsel vm0, v15, v2;
	v3 =	vsel vm0, $0xD, v4;
	v4 =	vld [tilespmem:s15+$0x1E00]  }
0xa0: {  	v2 =	vsel vm1, v1, v2;
	v3 =	vsel vm1, v5, v3;
	v5 =	vsel vm1, $0xD, v5  }
0xa1: {  	v1 =	vsel vm1, v15, v1;
	vm0 =	vgt.f32 v16, v2  }
0xa2: {  	vm1 =	vgt.f32 v16, v1;
	v2 =	vsel vm0, v16, v2;
	v3 =	vsel vm0, $0xE, v3  }
0xa3: {  	v2 =	vsel vm1, v1, v2;
	v3 =	vsel vm1, v5, v3;
	v1 =	vsel vm1, v16, v1  }
0xa4: {  	v5 =	vsel vm1, $0xE, v5;
	vm0 =	vgt.f32 v4, v2  }
0xa5: {  	vm1 =	vgt.f32 v4, v1;
	v2 =	vsel vm0, v4, v2;
	v3 =	vsel vm0, $0xF, v3  }
0xa6: {  	v2 =	vsel vm1, v1, v2;
	v1 =	vsel vm1, v4, v1;
	v4 =	vsel vm1, $0xF, v5  }
0xa7: {  	v3 =	vsel vm1, v5, v3;
	v1 =	vsub.f32 v2, v1;
	_ =	sdelay $0x1  }
0xa8: {  	v1 =	vmul.f32 $1.442695020e+00, v1;
	_ =	sdelay $0x1  }
0xa9: {  	(erf) = vpow2.f32 v1;
	_ =	sdelay $0x8  }
0xaa: {  	v1 =	vpop (erf)  }
0xab: {  	v1 =	vadd.f32 $1.000000000e+00, v1;
	_ =	sdelay $0x1  }
0xac: {  	(erf) = vrcp.f32 v1;
	_ =	sdelay $0x8  }
0xad: {  	s13 =	sadd.s32 $0x10, s13;
	v1 =	vpop (erf)  }
0xae: {  	[tilespmem:s13+$0xFFFFFE00] =	vst v1;
	v1 =	vsub.f32 $1.000000000e+00, v1;
	_ =	sdelay $0x1  }
.Ltmp0:
0xaf: {  	s12 =	sadd.s32 $0x10, s12;
	[tilespmem:s13+$0x0] =	vst v1;
	(pc) =	sbr.rel @p0 .LBB2_2-.Ltmp0, $4  }
0xb0: {  	[tilespmem:s12+$0x0] =	vst v3  }
0xb1: {  	s14 =	sadd.s32 $0x10, s14;
	[tilespmem:s12+$0xFFFFFE00] =	vst v4  }
0xb2: {  	v1 =	vld [tilespmem:s14+$0x0]  }
0xb3: {  	s15 =	sand.u32 $0x1F0, s16;
	s16 =	sadd.s32 $0x10, s16;
	v2 =	vld [tilespmem:s14+$0xFFFFFE00]  }
0xb4: {  	_ =	sdelay $0x2  }
0xb5: {  	v3 =	vld [tilespmem:s15+$0x400]  }
0xb6: {  	vm0 =	vlt.f32 v1, $-Inf;
	vm1 =	vgt.f32 v1, $-Inf;
	vm2 =	vgt.f32 v1, v2  }
0xb7: {  	v5 =	vimm.s32 $0x0;
	vm0 =	vmor vm1, vm0;
	vm13 =	vmneg vm2  }
0xb8: {  	v48 =	vld [tilespmem:s15+$0x600];
	v49 =	vnsel vm0, $0xFF800000, v1;
	v5 =	vsel vm13, $0xFFFFFFFF, v5  }
0xb9: {  	[tilespmem:$0x1FDE0] =	vst v5;
	v5 =	vsel vm13, v49, v2  }
0xba: {  	v1 =	vsel vm13, v2, v1;
	v2 =	vimm.s32 $0x0;
	vm14 =	vgt.f32 v3, v5  }
0xbb: {  	vm11 =	vgt.f32 v3, v1;
	v2 =	vsel vm14, $0xFFFFFFFF, v2;
	v5 =	vsel vm14, v3, v5  }
0xbc: {  	[tilespmem:$0x1FE10] =	vst v2;
	v2 =	vld [tilespmem:s15+$0x800];
	v5 =	vsel vm11, v1, v5  }
0xbd: {  	v1 =	vsel vm11, v3, v1;
	v3 =	vimm.s32 $0x0;
	vm15 =	vgt.f32 v48, v5  }
0xbe: {  	v3 =	vsel vm15, $0xFFFFFFFF, v3  }
0xbf: {  	vm9 =	vgt.f32 v48, v1;
	v5 =	vsel vm15, v48, v5;
	[tilespmem:$0x1FE20] =	vst v3;
	v3 =	vld [tilespmem:s15+$0xA00]  }
0xc0: {  	v5 =	vsel vm9, v1, v5  }
0xc1: {  	v1 =	vsel vm9, v48, v1;
	vm4 =	vgt.f32 v2, v5  }
0xc2: {  	v51 =	vld [tilespmem:s15+$0xC00];
	vm8 =	vgt.f32 v2, v1;
	v5 =	vsel vm4, v2, v5  }
0xc3: {  	v5 =	vsel vm8, v1, v5  }
0xc4: {  	v1 =	vsel vm8, v2, v1;
	v2 =	vimm.s32 $0x0;
	vm5 =	vgt.f32 v3, v5  }
0xc5: {  	vm10 =	vgt.f32 v3, v1;
	v2 =	vsel vm5, $0xFFFFFFFF, v2;
	v5 =	vsel vm5, v3, v5  }
0xc6: {  	[tilespmem:$0x1FE40] =	vst v2;
	v2 =	vld [tilespmem:s15+$0xE00];
	v5 =	vsel vm10, v1, v5  }
0xc7: {  	v1 =	vsel vm10, v3, v1;
	v3 =	vimm.s32 $0x0;
	vm6 =	vgt.f32 v51, v5  }
0xc8: {  	v3 =	vsel vm6, $0xFFFFFFFF, v3  }
0xc9: {  	v4 =	vimm.s32 $0x0;
	vm12 =	vgt.f32 v51, v1;
	v5 =	vsel vm6, v51, v5;
	[tilespmem:$0x1FE50] =	vst v3;
	v3 =	vld [tilespmem:s15+$0x1000]  }
0xca: {  	v47 =	vimm.s32 $0x0;
	v50 =	vimm.s32 $0x0;
	v5 =	vsel vm12, v1, v5  }
0xcb: {  	v4 =	vsel vm2, $0xFFFFFFFF, v4;
	v1 =	vsel vm12, v51, v1;
	vm7 =	vgt.f32 v2, v5  }
0xcc: {  	v53 =	vld [tilespmem:s15+$0x1200];
	[tilespmem:$0x1FE00] =	vst v4;
	v4 =	vsel vm0, $0xFFFFFFFF, v47;
	vm14 =	vgt.f32 v2, v1;
	v5 =	vsel vm7, v2, v5  }
0xcd: {  	[tilespmem:$0x1FDF0] =	vst v4;
	v4 =	vsel vm4, $0xFFFFFFFF, v50;
	v5 =	vsel vm14, v1, v5  }
0xce: {  	v1 =	vsel vm14, v2, v1;
	v2 =	vimm.s32 $0x0;
	vm4 =	vgt.f32 v3, v5  }
0xcf: {  	vm15 =	vgt.f32 v3, v1;
	v2 =	vsel vm4, $0xFFFFFFFF, v2;
	v5 =	vsel vm4, v3, v5  }
0xd0: {  	[tilespmem:$0x1FE70] =	vst v2;
	v2 =	vld [tilespmem:s15+$0x1400];
	v5 =	vsel vm15, v1, v5  }
0xd1: {  	v1 =	vsel vm15, v3, v1;
	v3 =	vimm.s32 $0x0;
	vm5 =	vgt.f32 v53, v5  }
0xd2: {  	v52 =	vimm.s32 $0x0;
	[tilespmem:$0x1FE30] =	vst v4;
	v3 =	vsel vm5, $0xFFFFFFFF, v3  }
0xd3: {  	v4 =	vsel vm7, $0xFFFFFFFF, v52;
	vm7 =	vgt.f32 v53, v1;
	v5 =	vsel vm5, v53, v5;
	[tilespmem:$0x1FE80] =	vst v3;
	v3 =	vld [tilespmem:s15+$0x1600]  }
0xd4: {  	v5 =	vsel vm7, v1, v5  }
0xd5: {  	v54 =	vimm.s32 $0x0;
	v1 =	vsel vm7, v53, v1;
	vm6 =	vgt.f32 v2, v5  }
0xd6: {  	v55 =	vld [tilespmem:s15+$0x1800];
	[tilespmem:$0x1FE60] =	vst v4;
	v4 =	vsel vm6, $0xFFFFFFFF, v54;
	v5 =	vsel vm6, v2, v5;
	vm6 =	vgt.f32 v2, v1  }
0xd7: {  	v5 =	vsel vm6, v1, v5  }
0xd8: {  	v1 =	vsel vm6, v2, v1;
	v2 =	vimm.s32 $0x0;
	vm13 =	vgt.f32 v3, v5  }
0xd9: {  	vm5 =	vgt.f32 v3, v1;
	v2 =	vsel vm13, $0xFFFFFFFF, v2;
	v5 =	vsel vm13, v3, v5  }
0xda: {  	[tilespmem:$0x1FEA0] =	vst v2;
	v2 =	vld [tilespmem:s15+$0x1A00];
	v5 =	vsel vm5, v1, v5  }
0xdb: {  	v1 =	vsel vm5, v3, v1;
	v3 =	vimm.s32 $0x0;
	vm4 =	vgt.f32 v55, v5  }
0xdc: {  	v3 =	vsel vm4, $0xFFFFFFFF, v3  }
0xdd: {  	v5 =	vsel vm4, v55, v5;
	vm4 =	vgt.f32 v55, v1;
	[tilespmem:$0x1FEB0] =	vst v3;
	v3 =	vld [tilespmem:s15+$0x1C00]  }
0xde: {  	v5 =	vsel vm4, v1, v5  }
0xdf: {  	v56 =	vimm.s32 $0x0;
	v1 =	vsel vm4, v55, v1;
	vm13 =	vgt.f32 v2, v5  }
0xe0: {  	[tilespmem:$0x1FE90] =	vst v4;
	vm1 =	vgt.f32 v2, v1;
	v4 =	vsel vm13, $0xFFFFFFFF, v56;
	v57 =	vsel vm13, v2, v5  }
0xe1: {  	v58 =	vld [tilespmem:s15+$0x1E00];
	[tilespmem:$0x1FEC0] =	vst v4;
	v4 =	vsel vm1, v1, v57  }
0xe2: {  	v1 =	vsel vm1, v2, v1;
	v2 =	vimm.s32 $0x0;
	vm13 =	vgt.f32 v3, v4  }
0xe3: {  	v2 =	vsel vm13, $0xFFFFFFFF, v2  }
0xe4: {  	vm2 =	vgt.f32 v3, v1;
	[tilespmem:$0x1FED0] =	vst v2;
	v2 =	vsel vm13, v3, v4  }
0xe5: {  	v2 =	vsel vm2, v1, v2  }
0xe6: {  	v1 =	vsel vm2, v3, v1;
	v3 =	vimm.s32 $0x0;
	vm13 =	vgt.f32 v58, v2  }
0xe7: {  	v3 =	vsel vm13, $0xFFFFFFFF, v3  }
0xe8: {  	[tilespmem:$0x1FEE0] =	vst v3;
	v3 =	vld [tilespmem:$0x1FDE0];
	_ =	sdelay $0x3  }
0xe9: {  	vm3 =	vgt.f32 v58, v1;
	v2 =	vsel vm13, v58, v2  }
0xea: {  	v2 =	vsel vm3, v1, v2;
	v1 =	vsel vm3, v58, v1;
	vm0 =	vnez.u8 v3;
	v3 =	vld [tilespmem:$0x1FDF0]  }
0xeb: {  	v1 =	vsub.f32 v2, v1;
	v2 =	vld [tilespmem:$0x1FE00]  }
0xec: {  	v59 =	vld [tilespmem:$0x1FE10];
	_ =	sdelay $0x1  }
0xed: {  	v60 =	vld [tilespmem:$0x1FE20]  }
0xee: {  	vm13 =	vnez.u8 v3  }
0xef: {  	vm0 =	vmand vm0, vm13;
	vm13 =	vnez.u8 v2  }
0xf0: {  	v3 =	vsel vm0, $0x1, v0;
	v2 =	vsel vm13, $0x1, v0;
	vm13 =	vnez.u8 v59  }
0xf1: {  	v1 =	vmul.f32 $1.442695020e+00, v1;
	v3 =	vsel vm13, $0x2, v3  }
0xf2: {  	v3 =	vsel vm11, v2, v3;
	v2 =	vsel vm11, $0x2, v2;
	vm11 =	vnez.u8 v60  }
0xf3: {  	v3 =	vsel vm11, $0x3, v3  }
0xf4: {  	(erf) = vpow2.f32 v1;
	v1 =	vsel vm9, v2, v3;
	v3 =	vld [tilespmem:$0x1FE30];
	_ =	sdelay $0x4  }
0xf5: {  	vm13 =	vnez.u8 v3;
	v3 =	vld [tilespmem:$0x1FE40];
	_ =	sdelay $0x4  }
0xf6: {  	v2 =	vsel vm9, $0x3, v2;
	vm9 =	vnez.u8 v3;
	v3 =	vld [tilespmem:$0x1FE50];
	_ =	sdelay $0x4  }
0xf7: {  	vm11 =	vnez.u8 v3;
	v3 =	vld [tilespmem:$0x1FE60];
	_ =	sdelay $0x4  }
0xf8: {  	v1 =	vsel vm13, $0x4, v1;
	vm13 =	vnez.u8 v3;
	v3 =	vld [tilespmem:$0x1FE70];
	_ =	sdelay $0x4  }
0xf9: {  	v1 =	vsel vm8, v2, v1;
	v2 =	vsel vm8, $0x4, v2;
	vm8 =	vnez.u8 v3;
	v3 =	vpop (erf)  }
0xfa: {  	v3 =	vadd.f32 $1.000000000e+00, v3;
	_ =	sdelay $0x1  }
0xfb: {  	(erf) = vrcp.f32 v3;
	v3 =	vld [tilespmem:$0x1FE90];
	_ =	sdelay $0x3  }
0xfc: {  	v1 =	vsel vm9, $0x5, v1  }
0xfd: {  	v1 =	vsel vm10, v2, v1;
	v2 =	vsel vm10, $0x5, v2;
	vm10 =	vnez.u8 v3;
	v3 =	vld [tilespmem:$0x1FEA0];
	_ =	sdelay $0x3  }
0xfe: {  	v61 =	vld [tilespmem:$0x1FE80]  }
0xff: {  	v1 =	vsel vm11, $0x6, v1;
	vm11 =	vnez.u8 v3;
	v3 =	vld [tilespmem:$0x1FEB0]  }
0x100: {  	v1 =	vsel vm12, v2, v1  }
0x101: {  	v2 =	vsel vm12, $0x6, v2;
	v1 =	vsel vm13, $0x7, v1  }
0x102: {  	v1 =	vsel vm14, v2, v1  }
0x103: {  	v2 =	vsel vm14, $0x7, v2;
	v1 =	vsel vm8, $0x8, v1  }
0x104: {  	vm9 =	vnez.u8 v61;
	v1 =	vsel vm15, v2, v1;
	vm12 =	vnez.u8 v3;
	v3 =	vld [tilespmem:$0x1FEC0]  }
0x105: {  	v2 =	vsel vm15, $0x8, v2;
	v1 =	vsel vm9, $0x9, v1  }
0x106: {  	v1 =	vsel vm7, v2, v1  }
0x107: {  	v2 =	vsel vm7, $0x9, v2;
	v1 =	vsel vm10, $0xA, v1  }
0x108: {  	v1 =	vsel vm6, v2, v1  }
0x109: {  	v2 =	vsel vm6, $0xA, v2;
	v1 =	vsel vm11, $0xB, v1;
	vm13 =	vnez.u8 v3;
	v3 =	vld [tilespmem:$0x1FED0]  }
0x10a: {  	v1 =	vsel vm5, v2, v1  }
0x10b: {  	v63 =	vld [tilespmem:$0x1FEE0];
	v2 =	vsel vm5, $0xB, v2;
	v1 =	vsel vm12, $0xC, v1  }
0x10c: {  	v1 =	vsel vm4, v2, v1  }
0x10d: {  	v2 =	vsel vm4, $0xC, v2;
	v1 =	vsel vm13, $0xD, v1  }
0x10e: {  	v1 =	vsel vm1, v2, v1;
	vm14 =	vnez.u8 v3  }
0x10f: {  	v2 =	vsel vm1, $0xD, v2;
	v3 =	vpop (erf);
	v1 =	vsel vm14, $0xE, v1  }
0x110: {  	s13 =	sadd.s32 $0x10, s13;
	vm15 =	vnez.u8 v63;
	v62 =	vsub.f32 $1.000000000e+00, v3;
	v1 =	vsel vm2, v2, v1  }
0x111: {  	[tilespmem:s13+$0xFFFFFE00] =	vst v3;
	v2 =	vsel vm2, $0xE, v2;
	v1 =	vsel vm15, $0xF, v1  }
0x112: {  	s12 =	sadd.s32 $0x10, s12;
	[tilespmem:s13+$0x0] =	vst v62;
	v1 =	vsel vm3, v2, v1  }
0x113: {  	v2 =	vsel vm3, $0xF, v2;
	[tilespmem:s12+$0x0] =	vst v1  }
0x114: {  	[tilespmem:s12+$0xFFFFFE00] =	vst v2  }
0x115: {  	[hbm4b:s4+s2] =	stream.linear.scatter [tilespmem:s8], [sflag:$0x1], $0x400, $0x38;
	[tilespmem:$0x2800] =	vst v63  }
0x116: {  	s11 =	sadd.s32 $0x1, s11  }
0x117: {  	[hbm4b:s5+s2] =	stream.linear.scatter [tilespmem:s9], [sflag:$0x1], $0x400, $0x38;
	[tilespmem:$0x2800] =	vst v63  }
0x118: {  	p0 =	sne.s32 s11, s6;
	_ =	swait.ge [sflag:s10], $0x400  }
.Ltmp1:
0x119: {  	[sflag:s10] =	ssyncset.done $0x0;
	(pc) =	sbr.rel @p0 .LBB2_1-.Ltmp1, $4  }
0x11a: {  	[sflag:s10] =	ssyncadd.s32 $0xFFFFFC00  }
0x11b: {  	_ =	swait.ge [sflag:s10], $0x400  }
0x11c: {  	[sflag:s10] =	ssyncset.done $0x0  }
0x11d: {  	[sflag:s10] =	ssyncadd.s32 $0xFFFFFC00  }
0x11e: {  	_ =	sfence.sel $0x180000  }
0x11f: {  	[bflag:$0x0] =	sbarrier.arrive $0xFFFF  }
0x120: {  	p0 =	sne.s32 s1, $0x0;
	_ =	strace $0x90000047  }
0x121: {  	s0 =	sadd.s32 @!p0 $0x100000, s0;
	[bflag:$0x2] =	sbarrier.arrive $0xFFFF  }
0x122: {  	[sflag:s0] =	ssyncadd.tile.s32 @!p0 $0x1;
	_ =	shalt  }
.Lfunc_end2:
_tile_overlayer_lowered:
.L_overlay_start_2:
0x123: {  	(tag) =	ssettag $0x2  }
0x124: {  	s0 =	rddreg [dreg:$0x0];
	s2 =	stileid.u32  }
0x125: {  	s1 =	rddreg [dreg:$0x1];
	p0 =	sne.s32 s2, $0x0  }
0x126: {  	s3 =	rddreg [dreg:$0x2];
	[bflag:$0x3] =	sbarrier.arrive $0xFFFF;
	s2 =	simm.s32 @!p0 $0x1C02  }
0x127: {  	[timem:s3], [sflag:s2] =	dma.local @!p0 [hbm:s0], s1  }
0x128: {  	s0 =	simm.s32 @!p0 $0x2  }
0x129: {  	_ =	swait.ge @!p0 [sflag:s0], s1  }
0x12a: {  	s1 =	ssub.s32 @!p0 $0x0, s1;
	[sflag:s0] =	ssyncset.done @!p0 $0x0  }
0x12b: {  	[sflag:s0] =	ssyncadd.s32 @!p0 s1  }
0x12c: {  	[bflag:$0x3] =	sbarrier.arrive $0xFFFF  }
0x12d: {  	_ =	shalt  }

</sc_bundles>
